<compile_context>
chip_gen: v7x
topology: tpu7x:2x2x1
jax: 0.10.2.dev20260603
libtpu: 0.0.44.dev20260713+nightly
codegen_flags: <defaults>
</compile_context>

<pallas_src>
import functools

import jax
import jax.numpy as jnp
from jax import lax
from jax.experimental import pallas as pl
from jax.experimental.pallas import tpu as pltpu
from jax.experimental.pallas import tpu_sc as plsc

N_NODES = 10000
N_EDGES = 320000
F_IN = 128
HID = 10
FP = 16

NW = 32
CHUNK = 128
CPT = 80
EPT = CPT * CHUNK
EPAD = NW * EPT
NPAD = 10112
GPT = EPT // 16
STRIPE = NPAD // 16
NBUF = 8

@functools.cache
def _sc_mesh():
    return plsc.VectorSubcoreMesh(
        core_axis_name="c", subcore_axis_name="s", num_cores=2, num_subcores=16)



def _deg_body(row_hbm, zb1_hbm, deg_out, row_v, deg_v):
    cid = lax.axis_index("c")
    sid = lax.axis_index("s")
    wid = sid * 2 + cid
    pltpu.sync_copy(row_hbm.at[wid], row_v)
    pltpu.sync_copy(zb1_hbm, deg_v)
    ones16 = jnp.ones((16,), jnp.float32)

    def add_body(j, carry):
        plsc.addupdate_scatter(deg_v, [row_v[j]], ones16)
        return carry

    lax.fori_loop(0, GPT, add_body, 0, unroll=8)
    pltpu.sync_copy(deg_v, deg_out.at[wid])


@functools.cache
def _deg_kernel():
    return pl.kernel(
        _deg_body,
        out_type=jax.ShapeDtypeStruct((NW, NPAD), jnp.float32),
        mesh=_sc_mesh(),
        scratch_types=[
            pltpu.VMEM((GPT, 16), jnp.int32),
            pltpu.VMEM((NPAD,), jnp.float32),
        ],
        compiler_params=pltpu.CompilerParams(needs_layout_passes=False),
    )



def _msg_body(row_hbm, col_hbm, z_hbm, zb_hbm, acc_out,
              row_v, col_v, *rest):
    bufs = rest[:NBUF]
    acc_s = rest[NBUF]
    gsems = rest[NBUF + 1:2 * NBUF + 1]
    ssems = rest[2 * NBUF + 1:]
    cid = lax.axis_index("c")
    sid = lax.axis_index("s")
    wid = sid * 2 + cid
    pltpu.sync_copy(row_hbm.at[wid], row_v)
    pltpu.sync_copy(col_hbm.at[wid], col_v)
    pltpu.sync_copy(zb_hbm, acc_s.at[pl.ds(sid * STRIPE, STRIPE)])
    plsc.subcore_barrier()

    for i in range(NBUF):
        pltpu.async_copy(z_hbm.at[row_v.at[i]], bufs[i], gsems[i])

    def body(k, carry):
        j0 = NBUF * k
        for i in range(NBUF):
            pltpu.make_async_copy(
                z_hbm.at[row_v.at[j0 + i]], bufs[i], gsems[i]).wait()
            pltpu.async_copy(
                bufs[i], acc_s.at[col_v.at[j0 + i]], ssems[i], add=True)
        for i in range(NBUF):
            pltpu.make_async_copy(
                bufs[i], acc_s.at[col_v.at[j0 + i]], ssems[i]).wait()
            pltpu.async_copy(
                z_hbm.at[row_v.at[j0 + NBUF + i]], bufs[i], gsems[i])
        return carry

    lax.fori_loop(0, CPT // NBUF - 1, body, 0)
    j0 = (CPT // NBUF - 1) * NBUF
    for i in range(NBUF):
        pltpu.make_async_copy(
            z_hbm.at[row_v.at[j0 + i]], bufs[i], gsems[i]).wait()
        pltpu.async_copy(
            bufs[i], acc_s.at[col_v.at[j0 + i]], ssems[i], add=True)
    for i in range(NBUF):
        pltpu.make_async_copy(
            bufs[i], acc_s.at[col_v.at[j0 + i]], ssems[i]).wait()
    for j in range(NBUF * (CPT // NBUF), CPT):
        i = j % NBUF
        pltpu.sync_copy(z_hbm.at[row_v.at[j]], bufs[i])
        pltpu.sync_copy(bufs[i], acc_s.at[col_v.at[j]], add=True)
    plsc.subcore_barrier()
    pltpu.sync_copy(acc_s.at[pl.ds(sid * STRIPE, STRIPE)],
                    acc_out.at[cid, pl.ds(sid * STRIPE, STRIPE)])


@functools.cache
def _msg_kernel():
    return pl.kernel(
        _msg_body,
        out_type=jax.ShapeDtypeStruct((2, NPAD, FP), jnp.float32),
        mesh=_sc_mesh(),
        scratch_types=[
            pltpu.VMEM((CPT, CHUNK), jnp.int32),
            pltpu.VMEM((CPT, CHUNK), jnp.int32),
        ] + [pltpu.VMEM((CHUNK, FP), jnp.float32)] * NBUF + [
            pltpu.VMEM_SHARED((NPAD, FP), jnp.float32),
        ] + [pltpu.SemaphoreType.DMA] * (2 * NBUF),
        compiler_params=pltpu.CompilerParams(
            needs_layout_passes=False, use_tc_tiling_on_sc=False),
    )



def _tc_a_body(x_ref, w0_ref, w1_ref, degs_ref, y0_ref, z_ref, dis_ref):
    deg = jnp.sum(degs_ref[...], axis=0)
    dis = jnp.where(deg > 0, lax.rsqrt(deg), 0.0)
    x = x_ref[...]
    y0_ref[...] = jnp.dot(x, w0_ref[...], preferred_element_type=jnp.float32)
    y1 = jnp.dot(x, w1_ref[...], preferred_element_type=jnp.float32)
    z_ref[...] = jnp.concatenate(
        [y1 * dis[:N_NODES, None],
         jnp.zeros((NPAD - N_NODES, FP), jnp.float32)], axis=0)
    dis_ref[...] = dis


def _tc_a(x, w0p, w1p, degs):
    return pl.pallas_call(
        _tc_a_body,
        out_shape=(
            jax.ShapeDtypeStruct((N_NODES, FP), jnp.float32),
            jax.ShapeDtypeStruct((NPAD, FP), jnp.float32),
            jax.ShapeDtypeStruct((NPAD,), jnp.float32),
        ),
    )(x, w0p, w1p, degs)



def _tc_b_body(acc_ref, y0_ref, dis_ref, bp_ref, wfc_ref, bfc_ref, out_ref):
    a = acc_ref[...]
    accsum = a[0, :N_NODES] + a[1, :N_NODES]
    dis = dis_ref[...]
    pre = y0_ref[...] - accsum * dis[:N_NODES, None] + bp_ref[...]
    h = jnp.maximum(pre, 0.0)
    logits = jnp.dot(h, wfc_ref[...], preferred_element_type=jnp.float32)
    logits = logits + bfc_ref[...]
    lane = lax.broadcasted_iota(jnp.int32, logits.shape, 1)
    masked = jnp.where(lane < HID, logits, -jnp.inf)
    m = jnp.max(masked, axis=1, keepdims=True)
    s = jnp.sum(jnp.exp(masked - m), axis=1, keepdims=True)
    out_ref[...] = logits - m - jnp.log(s)


def _tc_b(acc, y0, dis, bp, wfcp, bfcp):
    return pl.pallas_call(
        _tc_b_body,
        out_shape=jax.ShapeDtypeStruct((N_NODES, FP), jnp.float32),
    )(acc, y0, dis, bp, wfcp, bfcp)



@jax.jit
def kernel(x, edge_index, W0, W1, b, Wfc, bfc):
    row = edge_index[0]
    col = edge_index[1]
    pad = N_NODES + jnp.arange(EPAD - N_EDGES, dtype=jnp.int32) % (
        NPAD - N_NODES)
    rowp = jnp.concatenate([row, pad])
    colp = jnp.concatenate([col, pad])
    row2 = rowp.reshape(NW, GPT, 16)
    row3 = rowp.reshape(NW, CPT, CHUNK)
    col3 = colp.reshape(NW, CPT, CHUNK)
    w0p = jnp.pad(W0, ((0, 0), (0, FP - HID)))
    w1p = jnp.pad(W1, ((0, 0), (0, FP - HID)))
    bp = jnp.pad(b, (0, FP - HID)).reshape(1, FP)
    wfcp = jnp.pad(Wfc, ((0, FP - HID), (0, FP - HID)))
    bfcp = jnp.pad(bfc, (0, FP - HID)).reshape(1, FP)
    zb = jnp.zeros((STRIPE, FP), jnp.float32)

    degs = _deg_kernel()(row2, zb.reshape(NPAD))
    y0, z, dis = _tc_a(x, w0p, w1p, degs)
    acc = _msg_kernel()(row3, col3, z, zb)
    res = _tc_b(acc, y0, dis, bp, wfcp, bfcp)
    return res[:, :HID]

# --- scband reference (transcript-rebuilt; emitter-appended) ---
"""Pipeline reference for scband-net-49641232007490 (READ-ONLY COPY).

The authoritative reference and input builder live on the scoring server;
editing this copy changes nothing except your own understanding.
"""

import jax, jax.numpy as jnp
import numpy as np

N = 10000
E = 320000
F_IN = 128
HID = 10
OUT = 10

def setup_inputs(seed: int = 0) -> dict:
    key = jax.random.key(seed)
    ks = jax.random.split(key, 8)
    x = jax.random.normal(ks[0], (N, F_IN), dtype=jnp.float32)
    edge_index = jax.random.randint(ks[1], (2, E), 0, N, dtype=jnp.int32)
    # ChebConv(F_IN, HID, K=2) parameters: one weight per Chebyshev order + bias
    W0 = jax.random.normal(ks[2], (F_IN, HID), dtype=jnp.float32) * (1.0 / np.sqrt(F_IN))
    W1 = jax.random.normal(ks[3], (F_IN, HID), dtype=jnp.float32) * (1.0 / np.sqrt(F_IN))
    b = jnp.zeros((HID,), dtype=jnp.float32)
    # fc1: Linear(HID, OUT)
    Wfc = jax.random.normal(ks[4], (HID, OUT), dtype=jnp.float32) * (1.0 / np.sqrt(HID))
    bfc = jnp.zeros((OUT,), dtype=jnp.float32)
    return {"x": x, "edge_index": edge_index, "W0": W0, "W1": W1, "b": b, "Wfc": Wfc, "bfc": bfc}

def reference(x, edge_index, W0, W1, b, Wfc, bfc):
    # ChebConv, K=2, sym normalization, lambda_max=2.0 (PyG default):
    # scaled Laplacian L_hat = L - I = -D^{-1/2} A D^{-1/2} (self-loop fill -1 cancels the +1 diag)
    row = edge_index[0]
    col = edge_index[1]
    deg = jnp.zeros((N,), dtype=x.dtype).at[row].add(jnp.ones((E,), dtype=x.dtype))
    deg_inv_sqrt = jnp.where(deg > 0, deg ** -0.5, 0.0)
    w = -deg_inv_sqrt[row] * deg_inv_sqrt[col]
    # Tx_0 = x ; Tx_1 = L_hat @ x via gather + scatter-add (message norm * x_j aggregated at target)
    Tx1 = jnp.zeros_like(x).at[col].add(w[:, None] * x[row])
    out = x @ W0 + Tx1 @ W1 + b
    h = jax.nn.relu(out)
    logits = h @ Wfc + bfc
    return jax.nn.log_softmax(logits, axis=1)

if __name__ == "__main__":
    import jax
    _d = setup_inputs()
    print(jax.jit(kernel)(*tuple(_d.values())))

</pallas_src>

<mosaic_0001>
#map = affine_map<(d0, d1) -> (0, 0, 0)>
#map1 = affine_map<(d0, d1) -> (0)>
#map2 = affine_map<(d0, d1) -> (0, 0)>
module attributes {stable_mosaic.version = 14 : i64} {
  func.func @_deg_body(%arg0: i32, %arg1: i32, %arg2: memref<32x640x16xi32, #tpu.memory_space<hbm>>, %arg3: memref<10112xf32, #tpu.memory_space<hbm>>, %arg4: memref<32x10112xf32, #tpu.memory_space<hbm>>, %arg5: memref<640x16xi32, #tpu.memory_space<vmem>>, %arg6: memref<10112xf32, #tpu.memory_space<vmem>>) attributes {dimension_semantics = [#tpu.dimension_semantics<core_parallel>, #tpu.dimension_semantics<subcore_parallel>], iteration_bounds = array<i64: 2, 16>, scalar_prefetch = 0 : i64, scratch_operands = 2 : i64, tpu.core_type = #tpu.core_type<sc_vector_subcore>, window_params = [{transform_indices = #map}, {transform_indices = #map1}, {transform_indices = #map2}]} {
    %mul3A = arith.constant 2 : i32
    %mul3A_0 = arith.muli %arg1, %mul3A : i32
    %add3A = arith.addi %mul3A_0, %arg0 : i32
    "tpu.region"() ({
      %run_scoped3A = tpu.sem_alloc : memref<!tpu.dma_semaphore, #tpu.memory_space<semaphore_mem>>
      %dma_start3A = arith.constant 0 : i32
      %dma_start3A_7 = arith.constant 0 : i32
      %dma_start3A_8 = tpu.memref_slice %arg2[%add3A, %dma_start3A, %dma_start3A_7] : memref<32x640x16xi32, #tpu.memory_space<hbm>> -> memref<1x640x16xi32, #tpu.memory_space<hbm>>
      %dma_start3A_9 = tpu.memref_squeeze %dma_start3A_8 : memref<1x640x16xi32, #tpu.memory_space<hbm>> -> memref<640x16xi32, #tpu.memory_space<hbm>>
      %dma_start3A_10 = arith.constant 0 : i32
      %dma_start3A_11 = arith.constant 0 : i32
      %dma_start3A_12 = tpu.memref_slice %arg2[%add3A, %dma_start3A_10, %dma_start3A_11] : memref<32x640x16xi32, #tpu.memory_space<hbm>> -> memref<1x640x16xi32, #tpu.memory_space<hbm>>
      %dma_start3A_13 = tpu.memref_squeeze %dma_start3A_12 : memref<1x640x16xi32, #tpu.memory_space<hbm>> -> memref<640x16xi32, #tpu.memory_space<hbm>>
      tpu.enqueue_dma source(%dma_start3A_13 : memref<640x16xi32, #tpu.memory_space<hbm>>) target(%arg5 : memref<640x16xi32, #tpu.memory_space<vmem>>) target_semaphore(%run_scoped3A : memref<!tpu.dma_semaphore, #tpu.memory_space<semaphore_mem>>)
      %dma_wait3A = arith.constant 0 : i32
      %dma_wait3A_14 = arith.constant 0 : i32
      %dma_wait3A_15 = tpu.memref_slice %arg2[%add3A, %dma_wait3A, %dma_wait3A_14] : memref<32x640x16xi32, #tpu.memory_space<hbm>> -> memref<1x640x16xi32, #tpu.memory_space<hbm>>
      %dma_wait3A_16 = tpu.memref_squeeze %dma_wait3A_15 : memref<1x640x16xi32, #tpu.memory_space<hbm>> -> memref<640x16xi32, #tpu.memory_space<hbm>>
      %dma_wait3A_17 = arith.constant 0 : i32
      %dma_wait3A_18 = arith.constant 0 : i32
      %dma_wait3A_19 = tpu.memref_slice %arg2[%add3A, %dma_wait3A_17, %dma_wait3A_18] : memref<32x640x16xi32, #tpu.memory_space<hbm>> -> memref<1x640x16xi32, #tpu.memory_space<hbm>>
      %dma_wait3A_20 = tpu.memref_squeeze %dma_wait3A_19 : memref<1x640x16xi32, #tpu.memory_space<hbm>> -> memref<640x16xi32, #tpu.memory_space<hbm>>
      tpu.wait_dma2 semaphore(%run_scoped3A : memref<!tpu.dma_semaphore, #tpu.memory_space<semaphore_mem>>) src(%dma_wait3A_20 : memref<640x16xi32, #tpu.memory_space<hbm>>) dst(%arg5 : memref<640x16xi32, #tpu.memory_space<vmem>>)
      tpu.yield
    }) : () -> ()
    "tpu.region"() ({
      %run_scoped3A = tpu.sem_alloc : memref<!tpu.dma_semaphore, #tpu.memory_space<semaphore_mem>>
      tpu.enqueue_dma source(%arg3 : memref<10112xf32, #tpu.memory_space<hbm>>) target(%arg6 : memref<10112xf32, #tpu.memory_space<vmem>>) target_semaphore(%run_scoped3A : memref<!tpu.dma_semaphore, #tpu.memory_space<semaphore_mem>>)
      tpu.wait_dma2 semaphore(%run_scoped3A : memref<!tpu.dma_semaphore, #tpu.memory_space<semaphore_mem>>) src(%arg3 : memref<10112xf32, #tpu.memory_space<hbm>>) dst(%arg6 : memref<10112xf32, #tpu.memory_space<vmem>>)
      tpu.yield
    }) : () -> ()
    %broadcast_in_dim3A = arith.constant 1.000000e+00 : f32
    %broadcast_in_dim3A_1 = vector.broadcast %broadcast_in_dim3A : f32 to vector<16xf32>
    %scan3A = arith.constant 0 : i32
    %scan3A_2 = arith.constant 0 : i32
    %scan3A_3 = arith.constant 640 : i32
    %scan3A_4 = arith.addi %scan3A_2, %scan3A_3 : i32
    %scan3A_5 = arith.constant 8 : i32
    scf.for %scan3A_7 = %scan3A_2 to %scan3A_4 step %scan3A_5  : i32 {
      %get3A = arith.index_cast %scan3A_7 : i32 to index
      %get3A_8 = arith.constant 0 : index
      %get3A_9 = tpu.vector_load %arg5[%get3A, %get3A_8] {strides = array<i32>} : memref<640x16xi32, #tpu.memory_space<vmem>>, vector<16xi32>,
      tpu.vector_store_idx %arg6[%get3A_9], %broadcast_in_dim3A_1 {add = true} : memref<10112xf32, #tpu.memory_space<vmem>>[vector<16xi32>], vector<16xf32>,
      %scan3A_10 = arith.constant 1 : i32
      %scan3A_11 = arith.addi %scan3A_7, %scan3A_10 : i32
      %get3A_12 = arith.index_cast %scan3A_11 : i32 to index
      %get3A_13 = arith.constant 0 : index
      %get3A_14 = tpu.vector_load %arg5[%get3A_12, %get3A_13] {strides = array<i32>} : memref<640x16xi32, #tpu.memory_space<vmem>>, vector<16xi32>,
      tpu.vector_store_idx %arg6[%get3A_14], %broadcast_in_dim3A_1 {add = true} : memref<10112xf32, #tpu.memory_space<vmem>>[vector<16xi32>], vector<16xf32>,
      %scan3A_15 = arith.constant 2 : i32
      %scan3A_16 = arith.addi %scan3A_7, %scan3A_15 : i32
      %get3A_17 = arith.index_cast %scan3A_16 : i32 to index
      %get3A_18 = arith.constant 0 : index
      %get3A_19 = tpu.vector_load %arg5[%get3A_17, %get3A_18] {strides = array<i32>} : memref<640x16xi32, #tpu.memory_space<vmem>>, vector<16xi32>,
      tpu.vector_store_idx %arg6[%get3A_19], %broadcast_in_dim3A_1 {add = true} : memref<10112xf32, #tpu.memory_space<vmem>>[vector<16xi32>], vector<16xf32>,
      %scan3A_20 = arith.constant 3 : i32
      %scan3A_21 = arith.addi %scan3A_7, %scan3A_20 : i32
      %get3A_22 = arith.index_cast %scan3A_21 : i32 to index
      %get3A_23 = arith.constant 0 : index
      %get3A_24 = tpu.vector_load %arg5[%get3A_22, %get3A_23] {strides = array<i32>} : memref<640x16xi32, #tpu.memory_space<vmem>>, vector<16xi32>,
      tpu.vector_store_idx %arg6[%get3A_24], %broadcast_in_dim3A_1 {add = true} : memref<10112xf32, #tpu.memory_space<vmem>>[vector<16xi32>], vector<16xf32>,
      %scan3A_25 = arith.constant 4 : i32
      %scan3A_26 = arith.addi %scan3A_7, %scan3A_25 : i32
      %get3A_27 = arith.index_cast %scan3A_26 : i32 to index
      %get3A_28 = arith.constant 0 : index
      %get3A_29 = tpu.vector_load %arg5[%get3A_27, %get3A_28] {strides = array<i32>} : memref<640x16xi32, #tpu.memory_space<vmem>>, vector<16xi32>,
      tpu.vector_store_idx %arg6[%get3A_29], %broadcast_in_dim3A_1 {add = true} : memref<10112xf32, #tpu.memory_space<vmem>>[vector<16xi32>], vector<16xf32>,
      %scan3A_30 = arith.constant 5 : i32
      %scan3A_31 = arith.addi %scan3A_7, %scan3A_30 : i32
      %get3A_32 = arith.index_cast %scan3A_31 : i32 to index
      %get3A_33 = arith.constant 0 : index
      %get3A_34 = tpu.vector_load %arg5[%get3A_32, %get3A_33] {strides = array<i32>} : memref<640x16xi32, #tpu.memory_space<vmem>>, vector<16xi32>,
      tpu.vector_store_idx %arg6[%get3A_34], %broadcast_in_dim3A_1 {add = true} : memref<10112xf32, #tpu.memory_space<vmem>>[vector<16xi32>], vector<16xf32>,
      %scan3A_35 = arith.constant 6 : i32
      %scan3A_36 = arith.addi %scan3A_7, %scan3A_35 : i32
      %get3A_37 = arith.index_cast %scan3A_36 : i32 to index
      %get3A_38 = arith.constant 0 : index
      %get3A_39 = tpu.vector_load %arg5[%get3A_37, %get3A_38] {strides = array<i32>} : memref<640x16xi32, #tpu.memory_space<vmem>>, vector<16xi32>,
      tpu.vector_store_idx %arg6[%get3A_39], %broadcast_in_dim3A_1 {add = true} : memref<10112xf32, #tpu.memory_space<vmem>>[vector<16xi32>], vector<16xf32>,
      %scan3A_40 = arith.constant 7 : i32
      %scan3A_41 = arith.addi %scan3A_7, %scan3A_40 : i32
      %get3A_42 = arith.index_cast %scan3A_41 : i32 to index
      %get3A_43 = arith.constant 0 : index
      %get3A_44 = tpu.vector_load %arg5[%get3A_42, %get3A_43] {strides = array<i32>} : memref<640x16xi32, #tpu.memory_space<vmem>>, vector<16xi32>,
      tpu.vector_store_idx %arg6[%get3A_44], %broadcast_in_dim3A_1 {add = true} : memref<10112xf32, #tpu.memory_space<vmem>>[vector<16xi32>], vector<16xf32>,
    }
    %scan3A_6 = arith.constant 640 : i32
    "tpu.region"() ({
      %run_scoped3A = tpu.sem_alloc : memref<!tpu.dma_semaphore, #tpu.memory_space<semaphore_mem>>
      %dma_start3A = arith.constant 0 : i32
      %dma_start3A_7 = tpu.memref_slice %arg4[%add3A, %dma_start3A] : memref<32x10112xf32, #tpu.memory_space<hbm>> -> memref<1x10112xf32, #tpu.memory_space<hbm>>
      %dma_start3A_8 = tpu.memref_squeeze %dma_start3A_7 : memref<1x10112xf32, #tpu.memory_space<hbm>> -> memref<10112xf32, #tpu.memory_space<hbm>>
      %dma_start3A_9 = arith.constant 0 : i32
      %dma_start3A_10 = tpu.memref_slice %arg4[%add3A, %dma_start3A_9] : memref<32x10112xf32, #tpu.memory_space<hbm>> -> memref<1x10112xf32, #tpu.memory_space<hbm>>
      %dma_start3A_11 = tpu.memref_squeeze %dma_start3A_10 : memref<1x10112xf32, #tpu.memory_space<hbm>> -> memref<10112xf32, #tpu.memory_space<hbm>>
      tpu.enqueue_dma source(%arg6 : memref<10112xf32, #tpu.memory_space<vmem>>) target(%dma_start3A_11 : memref<10112xf32, #tpu.memory_space<hbm>>) target_semaphore(%run_scoped3A : memref<!tpu.dma_semaphore, #tpu.memory_space<semaphore_mem>>)
      %dma_wait3A = arith.constant 0 : i32
      %dma_wait3A_12 = tpu.memref_slice %arg4[%add3A, %dma_wait3A] : memref<32x10112xf32, #tpu.memory_space<hbm>> -> memref<1x10112xf32, #tpu.memory_space<hbm>>
      %dma_wait3A_13 = tpu.memref_squeeze %dma_wait3A_12 : memref<1x10112xf32, #tpu.memory_space<hbm>> -> memref<10112xf32, #tpu.memory_space<hbm>>
      %dma_wait3A_14 = arith.constant 0 : i32
      %dma_wait3A_15 = tpu.memref_slice %arg4[%add3A, %dma_wait3A_14] : memref<32x10112xf32, #tpu.memory_space<hbm>> -> memref<1x10112xf32, #tpu.memory_space<hbm>>
      %dma_wait3A_16 = tpu.memref_squeeze %dma_wait3A_15 : memref<1x10112xf32, #tpu.memory_space<hbm>> -> memref<10112xf32, #tpu.memory_space<hbm>>
      tpu.wait_dma2 semaphore(%run_scoped3A : memref<!tpu.dma_semaphore, #tpu.memory_space<semaphore_mem>>) src(%arg6 : memref<10112xf32, #tpu.memory_space<vmem>>) dst(%dma_wait3A_16 : memref<10112xf32, #tpu.memory_space<hbm>>)
      tpu.yield
    }) : () -> ()
    return
  }
}

#map = affine_map<(d0, d1) -> (0, 0, 0)>
#map1 = affine_map<(d0, d1) -> (0, 0)>
module attributes {stable_mosaic.version = 14 : i64} {
  func.func @_msg_body(%arg0: i32, %arg1: i32, %arg2: memref<32x80x128xi32, #tpu.memory_space<hbm>>, %arg3: memref<32x80x128xi32, #tpu.memory_space<hbm>>, %arg4: memref<10112x16xf32, #tpu.memory_space<hbm>>, %arg5: memref<632x16xf32, #tpu.memory_space<hbm>>, %arg6: memref<2x10112x16xf32, #tpu.memory_space<hbm>>, %arg7: memref<80x128xi32, #tpu.memory_space<vmem>>, %arg8: memref<80x128xi32, #tpu.memory_space<vmem>>, %arg9: memref<128x16xf32, #tpu.memory_space<vmem>>, %arg10: memref<128x16xf32, #tpu.memory_space<vmem>>, %arg11: memref<128x16xf32, #tpu.memory_space<vmem>>, %arg12: memref<128x16xf32, #tpu.memory_space<vmem>>, %arg13: memref<128x16xf32, #tpu.memory_space<vmem>>, %arg14: memref<128x16xf32, #tpu.memory_space<vmem>>, %arg15: memref<128x16xf32, #tpu.memory_space<vmem>>, %arg16: memref<128x16xf32, #tpu.memory_space<vmem>>, %arg17: memref<10112x16xf32, #tpu.memory_space<vmem_shared>>, %arg18: memref<!tpu.dma_semaphore, #tpu.memory_space<semaphore_mem>>, %arg19: memref<!tpu.dma_semaphore, #tpu.memory_space<semaphore_mem>>, %arg20: memref<!tpu.dma_semaphore, #tpu.memory_space<semaphore_mem>>, %arg21: memref<!tpu.dma_semaphore, #tpu.memory_space<semaphore_mem>>, %arg22: memref<!tpu.dma_semaphore, #tpu.memory_space<semaphore_mem>>, %arg23: memref<!tpu.dma_semaphore, #tpu.memory_space<semaphore_mem>>, %arg24: memref<!tpu.dma_semaphore, #tpu.memory_space<semaphore_mem>>, %arg25: memref<!tpu.dma_semaphore, #tpu.memory_space<semaphore_mem>>, %arg26: memref<!tpu.dma_semaphore, #tpu.memory_space<semaphore_mem>>, %arg27: memref<!tpu.dma_semaphore, #tpu.memory_space<semaphore_mem>>, %arg28: memref<!tpu.dma_semaphore, #tpu.memory_space<semaphore_mem>>, %arg29: memref<!tpu.dma_semaphore, #tpu.memory_space<semaphore_mem>>, %arg30: memref<!tpu.dma_semaphore, #tpu.memory_space<semaphore_mem>>, %arg31: memref<!tpu.dma_semaphore, #tpu.memory_space<semaphore_mem>>, %arg32: memref<!tpu.dma_semaphore, #tpu.memory_space<semaphore_mem>>, %arg33: memref<!tpu.dma_semaphore, #tpu.memory_space<semaphore_mem>>) attributes {dimension_semantics = [#tpu.dimension_semantics<core_parallel>, #tpu.dimension_semantics<subcore_parallel>], iteration_bounds = array<i64: 2, 16>, scalar_prefetch = 0 : i64, scratch_operands = 27 : i64, tpu.core_type = #tpu.core_type<sc_vector_subcore>, window_params = [{transform_indices = #map}, {transform_indices = #map}, {transform_indices = #map1}, {transform_indices = #map1}, {transform_indices = #map}]} {
    %mul3A = arith.constant 2 : i32
    %mul3A_0 = arith.muli %arg1, %mul3A : i32
    %add3A = arith.addi %mul3A_0, %arg0 : i32
    "tpu.region"() ({
      %run_scoped3A = tpu.sem_alloc : memref<!tpu.dma_semaphore, #tpu.memory_space<semaphore_mem>>
      %dma_start3A_235 = arith.constant 0 : i32
      %dma_start3A_236 = arith.constant 0 : i32
      %dma_start3A_237 = tpu.memref_slice %arg2[%add3A, %dma_start3A_235, %dma_start3A_236] : memref<32x80x128xi32, #tpu.memory_space<hbm>> -> memref<1x80x128xi32, #tpu.memory_space<hbm>>
      %dma_start3A_238 = tpu.memref_squeeze %dma_start3A_237 : memref<1x80x128xi32, #tpu.memory_space<hbm>> -> memref<80x128xi32, #tpu.memory_space<hbm>>
      %dma_start3A_239 = arith.constant 0 : i32
      %dma_start3A_240 = arith.constant 0 : i32
      %dma_start3A_241 = tpu.memref_slice %arg2[%add3A, %dma_start3A_239, %dma_start3A_240] : memref<32x80x128xi32, #tpu.memory_space<hbm>> -> memref<1x80x128xi32, #tpu.memory_space<hbm>>
      %dma_start3A_242 = tpu.memref_squeeze %dma_start3A_241 : memref<1x80x128xi32, #tpu.memory_space<hbm>> -> memref<80x128xi32, #tpu.memory_space<hbm>>
      tpu.enqueue_dma source(%dma_start3A_242 : memref<80x128xi32, #tpu.memory_space<hbm>>) target(%arg7 : memref<80x128xi32, #tpu.memory_space<vmem>>) target_semaphore(%run_scoped3A : memref<!tpu.dma_semaphore, #tpu.memory_space<semaphore_mem>>)
      %dma_wait3A_243 = arith.constant 0 : i32
      %dma_wait3A_244 = arith.constant 0 : i32
      %dma_wait3A_245 = tpu.memref_slice %arg2[%add3A, %dma_wait3A_243, %dma_wait3A_244] : memref<32x80x128xi32, #tpu.memory_space<hbm>> -> memref<1x80x128xi32, #tpu.memory_space<hbm>>
      %dma_wait3A_246 = tpu.memref_squeeze %dma_wait3A_245 : memref<1x80x128xi32, #tpu.memory_space<hbm>> -> memref<80x128xi32, #tpu.memory_space<hbm>>
      %dma_wait3A_247 = arith.constant 0 : i32
      %dma_wait3A_248 = arith.constant 0 : i32
      %dma_wait3A_249 = tpu.memref_slice %arg2[%add3A, %dma_wait3A_247, %dma_wait3A_248] : memref<32x80x128xi32, #tpu.memory_space<hbm>> -> memref<1x80x128xi32, #tpu.memory_space<hbm>>
      %dma_wait3A_250 = tpu.memref_squeeze %dma_wait3A_249 : memref<1x80x128xi32, #tpu.memory_space<hbm>> -> memref<80x128xi32, #tpu.memory_space<hbm>>
      tpu.wait_dma2 semaphore(%run_scoped3A : memref<!tpu.dma_semaphore, #tpu.memory_space<semaphore_mem>>) src(%dma_wait3A_250 : memref<80x128xi32, #tpu.memory_space<hbm>>) dst(%arg7 : memref<80x128xi32, #tpu.memory_space<vmem>>)
      tpu.yield
    }) : () -> ()
    "tpu.region"() ({
      %run_scoped3A = tpu.sem_alloc : memref<!tpu.dma_semaphore, #tpu.memory_space<semaphore_mem>>
      %dma_start3A_235 = arith.constant 0 : i32
      %dma_start3A_236 = arith.constant 0 : i32
      %dma_start3A_237 = tpu.memref_slice %arg3[%add3A, %dma_start3A_235, %dma_start3A_236] : memref<32x80x128xi32, #tpu.memory_space<hbm>> -> memref<1x80x128xi32, #tpu.memory_space<hbm>>
      %dma_start3A_238 = tpu.memref_squeeze %dma_start3A_237 : memref<1x80x128xi32, #tpu.memory_space<hbm>> -> memref<80x128xi32, #tpu.memory_space<hbm>>
      %dma_start3A_239 = arith.constant 0 : i32
      %dma_start3A_240 = arith.constant 0 : i32
      %dma_start3A_241 = tpu.memref_slice %arg3[%add3A, %dma_start3A_239, %dma_start3A_240] : memref<32x80x128xi32, #tpu.memory_space<hbm>> -> memref<1x80x128xi32, #tpu.memory_space<hbm>>
      %dma_start3A_242 = tpu.memref_squeeze %dma_start3A_241 : memref<1x80x128xi32, #tpu.memory_space<hbm>> -> memref<80x128xi32, #tpu.memory_space<hbm>>
      tpu.enqueue_dma source(%dma_start3A_242 : memref<80x128xi32, #tpu.memory_space<hbm>>) target(%arg8 : memref<80x128xi32, #tpu.memory_space<vmem>>) target_semaphore(%run_scoped3A : memref<!tpu.dma_semaphore, #tpu.memory_space<semaphore_mem>>)
      %dma_wait3A_243 = arith.constant 0 : i32
      %dma_wait3A_244 = arith.constant 0 : i32
      %dma_wait3A_245 = tpu.memref_slice %arg3[%add3A, %dma_wait3A_243, %dma_wait3A_244] : memref<32x80x128xi32, #tpu.memory_space<hbm>> -> memref<1x80x128xi32, #tpu.memory_space<hbm>>
      %dma_wait3A_246 = tpu.memref_squeeze %dma_wait3A_245 : memref<1x80x128xi32, #tpu.memory_space<hbm>> -> memref<80x128xi32, #tpu.memory_space<hbm>>
      %dma_wait3A_247 = arith.constant 0 : i32
      %dma_wait3A_248 = arith.constant 0 : i32
      %dma_wait3A_249 = tpu.memref_slice %arg3[%add3A, %dma_wait3A_247, %dma_wait3A_248] : memref<32x80x128xi32, #tpu.memory_space<hbm>> -> memref<1x80x128xi32, #tpu.memory_space<hbm>>
      %dma_wait3A_250 = tpu.memref_squeeze %dma_wait3A_249 : memref<1x80x128xi32, #tpu.memory_space<hbm>> -> memref<80x128xi32, #tpu.memory_space<hbm>>
      tpu.wait_dma2 semaphore(%run_scoped3A : memref<!tpu.dma_semaphore, #tpu.memory_space<semaphore_mem>>) src(%dma_wait3A_250 : memref<80x128xi32, #tpu.memory_space<hbm>>) dst(%arg8 : memref<80x128xi32, #tpu.memory_space<vmem>>)
      tpu.yield
    }) : () -> ()
    %mul3A_1 = arith.constant 632 : i32
    %mul3A_2 = arith.muli %arg1, %mul3A_1 : i32
    "tpu.region"() ({
      %run_scoped3A = tpu.sem_alloc : memref<!tpu.dma_semaphore, #tpu.memory_space<semaphore_mem>>
      %dma_start3A_235 = arith.constant 0 : i32
      %dma_start3A_236 = tpu.memref_slice %arg17[%mul3A_2, %dma_start3A_235] : memref<10112x16xf32, #tpu.memory_space<vmem_shared>> -> memref<632x16xf32, #tpu.memory_space<vmem_shared>>
      tpu.enqueue_dma source(%arg5 : memref<632x16xf32, #tpu.memory_space<hbm>>) target(%dma_start3A_236 : memref<632x16xf32, #tpu.memory_space<vmem_shared>>) target_semaphore(%run_scoped3A : memref<!tpu.dma_semaphore, #tpu.memory_space<semaphore_mem>>)
      %dma_wait3A_237 = arith.constant 0 : i32
      %dma_wait3A_238 = tpu.memref_slice %arg17[%mul3A_2, %dma_wait3A_237] : memref<10112x16xf32, #tpu.memory_space<vmem_shared>> -> memref<632x16xf32, #tpu.memory_space<vmem_shared>>
      tpu.wait_dma2 semaphore(%run_scoped3A : memref<!tpu.dma_semaphore, #tpu.memory_space<semaphore_mem>>) src(%arg5 : memref<632x16xf32, #tpu.memory_space<hbm>>) dst(%dma_wait3A_238 : memref<632x16xf32, #tpu.memory_space<vmem_shared>>)
      tpu.yield
    }) : () -> ()
    %barrier3A = arith.constant 0 : index
    tpu.barrier barrier_id(%barrier3A)
    %dma_start3A = arith.constant 0 : i32
    %dma_start3A_3 = arith.constant 0 : i32
    %dma_start3A_4 = tpu.memref_slice %arg7[%dma_start3A, %dma_start3A_3] : memref<80x128xi32, #tpu.memory_space<vmem>> -> memref<1x128xi32, #tpu.memory_space<vmem>>
    %dma_start3A_5 = tpu.memref_squeeze %dma_start3A_4 : memref<1x128xi32, #tpu.memory_space<vmem>> -> memref<128xi32, #tpu.memory_space<vmem>>
    %dma_start3A_6 = arith.constant 0 : i32
    %dma_start3A_7 = arith.constant 0 : i32
    %dma_start3A_8 = tpu.memref_slice %arg4[%dma_start3A_6, %dma_start3A_7] : memref<10112x16xf32, #tpu.memory_space<hbm>> -> memref<10112x16xf32, #tpu.memory_space<hbm>>
    tpu.enqueue_indirect_dma source(%dma_start3A_8 : memref<10112x16xf32, #tpu.memory_space<hbm>>) target(%arg9 : memref<128x16xf32, #tpu.memory_space<vmem>>) offsets(%dma_start3A_5 : memref<128xi32, #tpu.memory_space<vmem>>) semaphore(%arg18 : memref<!tpu.dma_semaphore, #tpu.memory_space<semaphore_mem>>)
    %dma_start3A_9 = arith.constant 1 : i32
    %dma_start3A_10 = arith.constant 0 : i32
    %dma_start3A_11 = tpu.memref_slice %arg7[%dma_start3A_9, %dma_start3A_10] : memref<80x128xi32, #tpu.memory_space<vmem>> -> memref<1x128xi32, #tpu.memory_space<vmem>>
    %dma_start3A_12 = tpu.memref_squeeze %dma_start3A_11 : memref<1x128xi32, #tpu.memory_space<vmem>> -> memref<128xi32, #tpu.memory_space<vmem>>
    %dma_start3A_13 = arith.constant 0 : i32
    %dma_start3A_14 = arith.constant 0 : i32
    %dma_start3A_15 = tpu.memref_slice %arg4[%dma_start3A_13, %dma_start3A_14] : memref<10112x16xf32, #tpu.memory_space<hbm>> -> memref<10112x16xf32, #tpu.memory_space<hbm>>
    tpu.enqueue_indirect_dma source(%dma_start3A_15 : memref<10112x16xf32, #tpu.memory_space<hbm>>) target(%arg10 : memref<128x16xf32, #tpu.memory_space<vmem>>) offsets(%dma_start3A_12 : memref<128xi32, #tpu.memory_space<vmem>>) semaphore(%arg19 : memref<!tpu.dma_semaphore, #tpu.memory_space<semaphore_mem>>)
    %dma_start3A_16 = arith.constant 2 : i32
    %dma_start3A_17 = arith.constant 0 : i32
    %dma_start3A_18 = tpu.memref_slice %arg7[%dma_start3A_16, %dma_start3A_17] : memref<80x128xi32, #tpu.memory_space<vmem>> -> memref<1x128xi32, #tpu.memory_space<vmem>>
    %dma_start3A_19 = tpu.memref_squeeze %dma_start3A_18 : memref<1x128xi32, #tpu.memory_space<vmem>> -> memref<128xi32, #tpu.memory_space<vmem>>
    %dma_start3A_20 = arith.constant 0 : i32
    %dma_start3A_21 = arith.constant 0 : i32
    %dma_start3A_22 = tpu.memref_slice %arg4[%dma_start3A_20, %dma_start3A_21] : memref<10112x16xf32, #tpu.memory_space<hbm>> -> memref<10112x16xf32, #tpu.memory_space<hbm>>
    tpu.enqueue_indirect_dma source(%dma_start3A_22 : memref<10112x16xf32, #tpu.memory_space<hbm>>) target(%arg11 : memref<128x16xf32, #tpu.memory_space<vmem>>) offsets(%dma_start3A_19 : memref<128xi32, #tpu.memory_space<vmem>>) semaphore(%arg20 : memref<!tpu.dma_semaphore, #tpu.memory_space<semaphore_mem>>)
    %dma_start3A_23 = arith.constant 3 : i32
    %dma_start3A_24 = arith.constant 0 : i32
    %dma_start3A_25 = tpu.memref_slice %arg7[%dma_start3A_23, %dma_start3A_24] : memref<80x128xi32, #tpu.memory_space<vmem>> -> memref<1x128xi32, #tpu.memory_space<vmem>>
    %dma_start3A_26 = tpu.memref_squeeze %dma_start3A_25 : memref<1x128xi32, #tpu.memory_space<vmem>> -> memref<128xi32, #tpu.memory_space<vmem>>
    %dma_start3A_27 = arith.constant 0 : i32
    %dma_start3A_28 = arith.constant 0 : i32
    %dma_start3A_29 = tpu.memref_slice %arg4[%dma_start3A_27, %dma_start3A_28] : memref<10112x16xf32, #tpu.memory_space<hbm>> -> memref<10112x16xf32, #tpu.memory_space<hbm>>
    tpu.enqueue_indirect_dma source(%dma_start3A_29 : memref<10112x16xf32, #tpu.memory_space<hbm>>) target(%arg12 : memref<128x16xf32, #tpu.memory_space<vmem>>) offsets(%dma_start3A_26 : memref<128xi32, #tpu.memory_space<vmem>>) semaphore(%arg21 : memref<!tpu.dma_semaphore, #tpu.memory_space<semaphore_mem>>)
    %dma_start3A_30 = arith.constant 4 : i32
    %dma_start3A_31 = arith.constant 0 : i32
    %dma_start3A_32 = tpu.memref_slice %arg7[%dma_start3A_30, %dma_start3A_31] : memref<80x128xi32, #tpu.memory_space<vmem>> -> memref<1x128xi32, #tpu.memory_space<vmem>>
    %dma_start3A_33 = tpu.memref_squeeze %dma_start3A_32 : memref<1x128xi32, #tpu.memory_space<vmem>> -> memref<128xi32, #tpu.memory_space<vmem>>
    %dma_start3A_34 = arith.constant 0 : i32
    %dma_start3A_35 = arith.constant 0 : i32
    %dma_start3A_36 = tpu.memref_slice %arg4[%dma_start3A_34, %dma_start3A_35] : memref<10112x16xf32, #tpu.memory_space<hbm>> -> memref<10112x16xf32, #tpu.memory_space<hbm>>
    tpu.enqueue_indirect_dma source(%dma_start3A_36 : memref<10112x16xf32, #tpu.memory_space<hbm>>) target(%arg13 : memref<128x16xf32, #tpu.memory_space<vmem>>) offsets(%dma_start3A_33 : memref<128xi32, #tpu.memory_space<vmem>>) semaphore(%arg22 : memref<!tpu.dma_semaphore, #tpu.memory_space<semaphore_mem>>)
    %dma_start3A_37 = arith.constant 5 : i32
    %dma_start3A_38 = arith.constant 0 : i32
    %dma_start3A_39 = tpu.memref_slice %arg7[%dma_start3A_37, %dma_start3A_38] : memref<80x128xi32, #tpu.memory_space<vmem>> -> memref<1x128xi32, #tpu.memory_space<vmem>>
    %dma_start3A_40 = tpu.memref_squeeze %dma_start3A_39 : memref<1x128xi32, #tpu.memory_space<vmem>> -> memref<128xi32, #tpu.memory_space<vmem>>
    %dma_start3A_41 = arith.constant 0 : i32
    %dma_start3A_42 = arith.constant 0 : i32
    %dma_start3A_43 = tpu.memref_slice %arg4[%dma_start3A_41, %dma_start3A_42] : memref<10112x16xf32, #tpu.memory_space<hbm>> -> memref<10112x16xf32, #tpu.memory_space<hbm>>
    tpu.enqueue_indirect_dma source(%dma_start3A_43 : memref<10112x16xf32, #tpu.memory_space<hbm>>) target(%arg14 : memref<128x16xf32, #tpu.memory_space<vmem>>) offsets(%dma_start3A_40 : memref<128xi32, #tpu.memory_space<vmem>>) semaphore(%arg23 : memref<!tpu.dma_semaphore, #tpu.memory_space<semaphore_mem>>)
    %dma_start3A_44 = arith.constant 6 : i32
    %dma_start3A_45 = arith.constant 0 : i32
    %dma_start3A_46 = tpu.memref_slice %arg7[%dma_start3A_44, %dma_start3A_45] : memref<80x128xi32, #tpu.memory_space<vmem>> -> memref<1x128xi32, #tpu.memory_space<vmem>>
    %dma_start3A_47 = tpu.memref_squeeze %dma_start3A_46 : memref<1x128xi32, #tpu.memory_space<vmem>> -> memref<128xi32, #tpu.memory_space<vmem>>
    %dma_start3A_48 = arith.constant 0 : i32
    %dma_start3A_49 = arith.constant 0 : i32
    %dma_start3A_50 = tpu.memref_slice %arg4[%dma_start3A_48, %dma_start3A_49] : memref<10112x16xf32, #tpu.memory_space<hbm>> -> memref<10112x16xf32, #tpu.memory_space<hbm>>
    tpu.enqueue_indirect_dma source(%dma_start3A_50 : memref<10112x16xf32, #tpu.memory_space<hbm>>) target(%arg15 : memref<128x16xf32, #tpu.memory_space<vmem>>) offsets(%dma_start3A_47 : memref<128xi32, #tpu.memory_space<vmem>>) semaphore(%arg24 : memref<!tpu.dma_semaphore, #tpu.memory_space<semaphore_mem>>)
    %dma_start3A_51 = arith.constant 7 : i32
    %dma_start3A_52 = arith.constant 0 : i32
    %dma_start3A_53 = tpu.memref_slice %arg7[%dma_start3A_51, %dma_start3A_52] : memref<80x128xi32, #tpu.memory_space<vmem>> -> memref<1x128xi32, #tpu.memory_space<vmem>>
    %dma_start3A_54 = tpu.memref_squeeze %dma_start3A_53 : memref<1x128xi32, #tpu.memory_space<vmem>> -> memref<128xi32, #tpu.memory_space<vmem>>
    %dma_start3A_55 = arith.constant 0 : i32
    %dma_start3A_56 = arith.constant 0 : i32
    %dma_start3A_57 = tpu.memref_slice %arg4[%dma_start3A_55, %dma_start3A_56] : memref<10112x16xf32, #tpu.memory_space<hbm>> -> memref<10112x16xf32, #tpu.memory_space<hbm>>
    tpu.enqueue_indirect_dma source(%dma_start3A_57 : memref<10112x16xf32, #tpu.memory_space<hbm>>) target(%arg16 : memref<128x16xf32, #tpu.memory_space<vmem>>) offsets(%dma_start3A_54 : memref<128xi32, #tpu.memory_space<vmem>>) semaphore(%arg25 : memref<!tpu.dma_semaphore, #tpu.memory_space<semaphore_mem>>)
    %scan3A = arith.constant 0 : i32
    %scan3A_58 = arith.constant 0 : i32
    %scan3A_59 = arith.constant 9 : i32
    %scan3A_60 = arith.addi %scan3A_58, %scan3A_59 : i32
    %scan3A_61 = arith.constant 1 : i32
    scf.for %scan3A_235 = %scan3A_58 to %scan3A_60 step %scan3A_61  : i32 {
      %mul3A_236 = arith.constant 8 : i32
      %mul3A_237 = arith.muli %mul3A_236, %scan3A_235 : i32
      %add3A_238 = arith.constant 0 : i32
      %add3A_239 = arith.addi %mul3A_237, %add3A_238 : i32
      %dma_wait3A_240 = arith.constant 0 : i32
      %dma_wait3A_241 = tpu.memref_slice %arg7[%add3A_239, %dma_wait3A_240] : memref<80x128xi32, #tpu.memory_space<vmem>> -> memref<1x128xi32, #tpu.memory_space<vmem>>
      %dma_wait3A_242 = tpu.memref_squeeze %dma_wait3A_241 : memref<1x128xi32, #tpu.memory_space<vmem>> -> memref<128xi32, #tpu.memory_space<vmem>>
      %dma_wait3A_243 = arith.constant 0 : i32
      %dma_wait3A_244 = arith.constant 0 : i32
      %dma_wait3A_245 = tpu.memref_slice %arg4[%dma_wait3A_243, %dma_wait3A_244] : memref<10112x16xf32, #tpu.memory_space<hbm>> -> memref<10112x16xf32, #tpu.memory_space<hbm>>
      tpu.wait_indirect_dma semaphore(%arg18 : memref<!tpu.dma_semaphore, #tpu.memory_space<semaphore_mem>>) src(%dma_wait3A_245 : memref<10112x16xf32, #tpu.memory_space<hbm>>) dst(%arg9 : memref<128x16xf32, #tpu.memory_space<vmem>>)
      %add3A_246 = arith.constant 0 : i32
      %add3A_247 = arith.addi %mul3A_237, %add3A_246 : i32
      %dma_start3A_248 = arith.constant 0 : i32
      %dma_start3A_249 = tpu.memref_slice %arg8[%add3A_247, %dma_start3A_248] : memref<80x128xi32, #tpu.memory_space<vmem>> -> memref<1x128xi32, #tpu.memory_space<vmem>>
      %dma_start3A_250 = tpu.memref_squeeze %dma_start3A_249 : memref<1x128xi32, #tpu.memory_space<vmem>> -> memref<128xi32, #tpu.memory_space<vmem>>
      %dma_start3A_251 = arith.constant 0 : i32
      %dma_start3A_252 = arith.constant 0 : i32
      %dma_start3A_253 = tpu.memref_slice %arg17[%dma_start3A_251, %dma_start3A_252] : memref<10112x16xf32, #tpu.memory_space<vmem_shared>> -> memref<10112x16xf32, #tpu.memory_space<vmem_shared>>
      tpu.enqueue_indirect_dma source(%arg9 : memref<128x16xf32, #tpu.memory_space<vmem>>) target(%dma_start3A_253 : memref<10112x16xf32, #tpu.memory_space<vmem_shared>>) offsets(%dma_start3A_250 : memref<128xi32, #tpu.memory_space<vmem>>) semaphore(%arg26 : memref<!tpu.dma_semaphore, #tpu.memory_space<semaphore_mem>>) {add = true}
      %add3A_254 = arith.constant 1 : i32
      %add3A_255 = arith.addi %mul3A_237, %add3A_254 : i32
      %dma_wait3A_256 = arith.constant 0 : i32
      %dma_wait3A_257 = tpu.memref_slice %arg7[%add3A_255, %dma_wait3A_256] : memref<80x128xi32, #tpu.memory_space<vmem>> -> memref<1x128xi32, #tpu.memory_space<vmem>>
      %dma_wait3A_258 = tpu.memref_squeeze %dma_wait3A_257 : memref<1x128xi32, #tpu.memory_space<vmem>> -> memref<128xi32, #tpu.memory_space<vmem>>
      %dma_wait3A_259 = arith.constant 0 : i32
      %dma_wait3A_260 = arith.constant 0 : i32
      %dma_wait3A_261 = tpu.memref_slice %arg4[%dma_wait3A_259, %dma_wait3A_260] : memref<10112x16xf32, #tpu.memory_space<hbm>> -> memref<10112x16xf32, #tpu.memory_space<hbm>>
      tpu.wait_indirect_dma semaphore(%arg19 : memref<!tpu.dma_semaphore, #tpu.memory_space<semaphore_mem>>) src(%dma_wait3A_261 : memref<10112x16xf32, #tpu.memory_space<hbm>>) dst(%arg10 : memref<128x16xf32, #tpu.memory_space<vmem>>)
      %add3A_262 = arith.constant 1 : i32
      %add3A_263 = arith.addi %mul3A_237, %add3A_262 : i32
      %dma_start3A_264 = arith.constant 0 : i32
      %dma_start3A_265 = tpu.memref_slice %arg8[%add3A_263, %dma_start3A_264] : memref<80x128xi32, #tpu.memory_space<vmem>> -> memref<1x128xi32, #tpu.memory_space<vmem>>
      %dma_start3A_266 = tpu.memref_squeeze %dma_start3A_265 : memref<1x128xi32, #tpu.memory_space<vmem>> -> memref<128xi32, #tpu.memory_space<vmem>>
      %dma_start3A_267 = arith.constant 0 : i32
      %dma_start3A_268 = arith.constant 0 : i32
      %dma_start3A_269 = tpu.memref_slice %arg17[%dma_start3A_267, %dma_start3A_268] : memref<10112x16xf32, #tpu.memory_space<vmem_shared>> -> memref<10112x16xf32, #tpu.memory_space<vmem_shared>>
      tpu.enqueue_indirect_dma source(%arg10 : memref<128x16xf32, #tpu.memory_space<vmem>>) target(%dma_start3A_269 : memref<10112x16xf32, #tpu.memory_space<vmem_shared>>) offsets(%dma_start3A_266 : memref<128xi32, #tpu.memory_space<vmem>>) semaphore(%arg27 : memref<!tpu.dma_semaphore, #tpu.memory_space<semaphore_mem>>) {add = true}
      %add3A_270 = arith.constant 2 : i32
      %add3A_271 = arith.addi %mul3A_237, %add3A_270 : i32
      %dma_wait3A_272 = arith.constant 0 : i32
      %dma_wait3A_273 = tpu.memref_slice %arg7[%add3A_271, %dma_wait3A_272] : memref<80x128xi32, #tpu.memory_space<vmem>> -> memref<1x128xi32, #tpu.memory_space<vmem>>
      %dma_wait3A_274 = tpu.memref_squeeze %dma_wait3A_273 : memref<1x128xi32, #tpu.memory_space<vmem>> -> memref<128xi32, #tpu.memory_space<vmem>>
      %dma_wait3A_275 = arith.constant 0 : i32
      %dma_wait3A_276 = arith.constant 0 : i32
      %dma_wait3A_277 = tpu.memref_slice %arg4[%dma_wait3A_275, %dma_wait3A_276] : memref<10112x16xf32, #tpu.memory_space<hbm>> -> memref<10112x16xf32, #tpu.memory_space<hbm>>
      tpu.wait_indirect_dma semaphore(%arg20 : memref<!tpu.dma_semaphore, #tpu.memory_space<semaphore_mem>>) src(%dma_wait3A_277 : memref<10112x16xf32, #tpu.memory_space<hbm>>) dst(%arg11 : memref<128x16xf32, #tpu.memory_space<vmem>>)
      %add3A_278 = arith.constant 2 : i32
      %add3A_279 = arith.addi %mul3A_237, %add3A_278 : i32
      %dma_start3A_280 = arith.constant 0 : i32
      %dma_start3A_281 = tpu.memref_slice %arg8[%add3A_279, %dma_start3A_280] : memref<80x128xi32, #tpu.memory_space<vmem>> -> memref<1x128xi32, #tpu.memory_space<vmem>>
      %dma_start3A_282 = tpu.memref_squeeze %dma_start3A_281 : memref<1x128xi32, #tpu.memory_space<vmem>> -> memref<128xi32, #tpu.memory_space<vmem>>
      %dma_start3A_283 = arith.constant 0 : i32
      %dma_start3A_284 = arith.constant 0 : i32
      %dma_start3A_285 = tpu.memref_slice %arg17[%dma_start3A_283, %dma_start3A_284] : memref<10112x16xf32, #tpu.memory_space<vmem_shared>> -> memref<10112x16xf32, #tpu.memory_space<vmem_shared>>
      tpu.enqueue_indirect_dma source(%arg11 : memref<128x16xf32, #tpu.memory_space<vmem>>) target(%dma_start3A_285 : memref<10112x16xf32, #tpu.memory_space<vmem_shared>>) offsets(%dma_start3A_282 : memref<128xi32, #tpu.memory_space<vmem>>) semaphore(%arg28 : memref<!tpu.dma_semaphore, #tpu.memory_space<semaphore_mem>>) {add = true}
      %add3A_286 = arith.constant 3 : i32
      %add3A_287 = arith.addi %mul3A_237, %add3A_286 : i32
      %dma_wait3A_288 = arith.constant 0 : i32
      %dma_wait3A_289 = tpu.memref_slice %arg7[%add3A_287, %dma_wait3A_288] : memref<80x128xi32, #tpu.memory_space<vmem>> -> memref<1x128xi32, #tpu.memory_space<vmem>>
      %dma_wait3A_290 = tpu.memref_squeeze %dma_wait3A_289 : memref<1x128xi32, #tpu.memory_space<vmem>> -> memref<128xi32, #tpu.memory_space<vmem>>
      %dma_wait3A_291 = arith.constant 0 : i32
      %dma_wait3A_292 = arith.constant 0 : i32
      %dma_wait3A_293 = tpu.memref_slice %arg4[%dma_wait3A_291, %dma_wait3A_292] : memref<10112x16xf32, #tpu.memory_space<hbm>> -> memref<10112x16xf32, #tpu.memory_space<hbm>>
      tpu.wait_indirect_dma semaphore(%arg21 : memref<!tpu.dma_semaphore, #tpu.memory_space<semaphore_mem>>) src(%dma_wait3A_293 : memref<10112x16xf32, #tpu.memory_space<hbm>>) dst(%arg12 : memref<128x16xf32, #tpu.memory_space<vmem>>)
      %add3A_294 = arith.constant 3 : i32
      %add3A_295 = arith.addi %mul3A_237, %add3A_294 : i32
      %dma_start3A_296 = arith.constant 0 : i32
      %dma_start3A_297 = tpu.memref_slice %arg8[%add3A_295, %dma_start3A_296] : memref<80x128xi32, #tpu.memory_space<vmem>> -> memref<1x128xi32, #tpu.memory_space<vmem>>
      %dma_start3A_298 = tpu.memref_squeeze %dma_start3A_297 : memref<1x128xi32, #tpu.memory_space<vmem>> -> memref<128xi32, #tpu.memory_space<vmem>>
      %dma_start3A_299 = arith.constant 0 : i32
      %dma_start3A_300 = arith.constant 0 : i32
      %dma_start3A_301 = tpu.memref_slice %arg17[%dma_start3A_299, %dma_start3A_300] : memref<10112x16xf32, #tpu.memory_space<vmem_shared>> -> memref<10112x16xf32, #tpu.memory_space<vmem_shared>>
      tpu.enqueue_indirect_dma source(%arg12 : memref<128x16xf32, #tpu.memory_space<vmem>>) target(%dma_start3A_301 : memref<10112x16xf32, #tpu.memory_space<vmem_shared>>) offsets(%dma_start3A_298 : memref<128xi32, #tpu.memory_space<vmem>>) semaphore(%arg29 : memref<!tpu.dma_semaphore, #tpu.memory_space<semaphore_mem>>) {add = true}
      %add3A_302 = arith.constant 4 : i32
      %add3A_303 = arith.addi %mul3A_237, %add3A_302 : i32
      %dma_wait3A_304 = arith.constant 0 : i32
      %dma_wait3A_305 = tpu.memref_slice %arg7[%add3A_303, %dma_wait3A_304] : memref<80x128xi32, #tpu.memory_space<vmem>> -> memref<1x128xi32, #tpu.memory_space<vmem>>
      %dma_wait3A_306 = tpu.memref_squeeze %dma_wait3A_305 : memref<1x128xi32, #tpu.memory_space<vmem>> -> memref<128xi32, #tpu.memory_space<vmem>>
      %dma_wait3A_307 = arith.constant 0 : i32
      %dma_wait3A_308 = arith.constant 0 : i32
      %dma_wait3A_309 = tpu.memref_slice %arg4[%dma_wait3A_307, %dma_wait3A_308] : memref<10112x16xf32, #tpu.memory_space<hbm>> -> memref<10112x16xf32, #tpu.memory_space<hbm>>
      tpu.wait_indirect_dma semaphore(%arg22 : memref<!tpu.dma_semaphore, #tpu.memory_space<semaphore_mem>>) src(%dma_wait3A_309 : memref<10112x16xf32, #tpu.memory_space<hbm>>) dst(%arg13 : memref<128x16xf32, #tpu.memory_space<vmem>>)
      %add3A_310 = arith.constant 4 : i32
      %add3A_311 = arith.addi %mul3A_237, %add3A_310 : i32
      %dma_start3A_312 = arith.constant 0 : i32
      %dma_start3A_313 = tpu.memref_slice %arg8[%add3A_311, %dma_start3A_312] : memref<80x128xi32, #tpu.memory_space<vmem>> -> memref<1x128xi32, #tpu.memory_space<vmem>>
      %dma_start3A_314 = tpu.memref_squeeze %dma_start3A_313 : memref<1x128xi32, #tpu.memory_space<vmem>> -> memref<128xi32, #tpu.memory_space<vmem>>
      %dma_start3A_315 = arith.constant 0 : i32
      %dma_start3A_316 = arith.constant 0 : i32
      %dma_start3A_317 = tpu.memref_slice %arg17[%dma_start3A_315, %dma_start3A_316] : memref<10112x16xf32, #tpu.memory_space<vmem_shared>> -> memref<10112x16xf32, #tpu.memory_space<vmem_shared>>
      tpu.enqueue_indirect_dma source(%arg13 : memref<128x16xf32, #tpu.memory_space<vmem>>) target(%dma_start3A_317 : memref<10112x16xf32, #tpu.memory_space<vmem_shared>>) offsets(%dma_start3A_314 : memref<128xi32, #tpu.memory_space<vmem>>) semaphore(%arg30 : memref<!tpu.dma_semaphore, #tpu.memory_space<semaphore_mem>>) {add = true}
      %add3A_318 = arith.constant 5 : i32
      %add3A_319 = arith.addi %mul3A_237, %add3A_318 : i32
      %dma_wait3A_320 = arith.constant 0 : i32
      %dma_wait3A_321 = tpu.memref_slice %arg7[%add3A_319, %dma_wait3A_320] : memref<80x128xi32, #tpu.memory_space<vmem>> -> memref<1x128xi32, #tpu.memory_space<vmem>>
      %dma_wait3A_322 = tpu.memref_squeeze %dma_wait3A_321 : memref<1x128xi32, #tpu.memory_space<vmem>> -> memref<128xi32, #tpu.memory_space<vmem>>
      %dma_wait3A_323 = arith.constant 0 : i32
      %dma_wait3A_324 = arith.constant 0 : i32
      %dma_wait3A_325 = tpu.memref_slice %arg4[%dma_wait3A_323, %dma_wait3A_324] : memref<10112x16xf32, #tpu.memory_space<hbm>> -> memref<10112x16xf32, #tpu.memory_space<hbm>>
      tpu.wait_indirect_dma semaphore(%arg23 : memref<!tpu.dma_semaphore, #tpu.memory_space<semaphore_mem>>) src(%dma_wait3A_325 : memref<10112x16xf32, #tpu.memory_space<hbm>>) dst(%arg14 : memref<128x16xf32, #tpu.memory_space<vmem>>)
      %add3A_326 = arith.constant 5 : i32
      %add3A_327 = arith.addi %mul3A_237, %add3A_326 : i32
      %dma_start3A_328 = arith.constant 0 : i32
      %dma_start3A_329 = tpu.memref_slice %arg8[%add3A_327, %dma_start3A_328] : memref<80x128xi32, #tpu.memory_space<vmem>> -> memref<1x128xi32, #tpu.memory_space<vmem>>
      %dma_start3A_330 = tpu.memref_squeeze %dma_start3A_329 : memref<1x128xi32, #tpu.memory_space<vmem>> -> memref<128xi32, #tpu.memory_space<vmem>>
      %dma_start3A_331 = arith.constant 0 : i32
      %dma_start3A_332 = arith.constant 0 : i32
      %dma_start3A_333 = tpu.memref_slice %arg17[%dma_start3A_331, %dma_start3A_332] : memref<10112x16xf32, #tpu.memory_space<vmem_shared>> -> memref<10112x16xf32, #tpu.memory_space<vmem_shared>>
      tpu.enqueue_indirect_dma source(%arg14 : memref<128x16xf32, #tpu.memory_space<vmem>>) target(%dma_start3A_333 : memref<10112x16xf32, #tpu.memory_space<vmem_shared>>) offsets(%dma_start3A_330 : memref<128xi32, #tpu.memory_space<vmem>>) semaphore(%arg31 : memref<!tpu.dma_semaphore, #tpu.memory_space<semaphore_mem>>) {add = true}
      %add3A_334 = arith.constant 6 : i32
      %add3A_335 = arith.addi %mul3A_237, %add3A_334 : i32
      %dma_wait3A_336 = arith.constant 0 : i32
      %dma_wait3A_337 = tpu.memref_slice %arg7[%add3A_335, %dma_wait3A_336] : memref<80x128xi32, #tpu.memory_space<vmem>> -> memref<1x128xi32, #tpu.memory_space<vmem>>
      %dma_wait3A_338 = tpu.memref_squeeze %dma_wait3A_337 : memref<1x128xi32, #tpu.memory_space<vmem>> -> memref<128xi32, #tpu.memory_space<vmem>>
      %dma_wait3A_339 = arith.constant 0 : i32
      %dma_wait3A_340 = arith.constant 0 : i32
      %dma_wait3A_341 = tpu.memref_slice %arg4[%dma_wait3A_339, %dma_wait3A_340] : memref<10112x16xf32, #tpu.memory_space<hbm>> -> memref<10112x16xf32, #tpu.memory_space<hbm>>
      tpu.wait_indirect_dma semaphore(%arg24 : memref<!tpu.dma_semaphore, #tpu.memory_space<semaphore_mem>>) src(%dma_wait3A_341 : memref<10112x16xf32, #tpu.memory_space<hbm>>) dst(%arg15 : memref<128x16xf32, #tpu.memory_space<vmem>>)
      %add3A_342 = arith.constant 6 : i32
      %add3A_343 = arith.addi %mul3A_237, %add3A_342 : i32
      %dma_start3A_344 = arith.constant 0 : i32
      %dma_start3A_345 = tpu.memref_slice %arg8[%add3A_343, %dma_start3A_344] : memref<80x128xi32, #tpu.memory_space<vmem>> -> memref<1x128xi32, #tpu.memory_space<vmem>>
      %dma_start3A_346 = tpu.memref_squeeze %dma_start3A_345 : memref<1x128xi32, #tpu.memory_space<vmem>> -> memref<128xi32, #tpu.memory_space<vmem>>
      %dma_start3A_347 = arith.constant 0 : i32
      %dma_start3A_348 = arith.constant 0 : i32
      %dma_start3A_349 = tpu.memref_slice %arg17[%dma_start3A_347, %dma_start3A_348] : memref<10112x16xf32, #tpu.memory_space<vmem_shared>> -> memref<10112x16xf32, #tpu.memory_space<vmem_shared>>
      tpu.enqueue_indirect_dma source(%arg15 : memref<128x16xf32, #tpu.memory_space<vmem>>) target(%dma_start3A_349 : memref<10112x16xf32, #tpu.memory_space<vmem_shared>>) offsets(%dma_start3A_346 : memref<128xi32, #tpu.memory_space<vmem>>) semaphore(%arg32 : memref<!tpu.dma_semaphore, #tpu.memory_space<semaphore_mem>>) {add = true}
      %add3A_350 = arith.constant 7 : i32
      %add3A_351 = arith.addi %mul3A_237, %add3A_350 : i32
      %dma_wait3A_352 = arith.constant 0 : i32
      %dma_wait3A_353 = tpu.memref_slice %arg7[%add3A_351, %dma_wait3A_352] : memref<80x128xi32, #tpu.memory_space<vmem>> -> memref<1x128xi32, #tpu.memory_space<vmem>>
      %dma_wait3A_354 = tpu.memref_squeeze %dma_wait3A_353 : memref<1x128xi32, #tpu.memory_space<vmem>> -> memref<128xi32, #tpu.memory_space<vmem>>
      %dma_wait3A_355 = arith.constant 0 : i32
      %dma_wait3A_356 = arith.constant 0 : i32
      %dma_wait3A_357 = tpu.memref_slice %arg4[%dma_wait3A_355, %dma_wait3A_356] : memref<10112x16xf32, #tpu.memory_space<hbm>> -> memref<10112x16xf32, #tpu.memory_space<hbm>>
      tpu.wait_indirect_dma semaphore(%arg25 : memref<!tpu.dma_semaphore, #tpu.memory_space<semaphore_mem>>) src(%dma_wait3A_357 : memref<10112x16xf32, #tpu.memory_space<hbm>>) dst(%arg16 : memref<128x16xf32, #tpu.memory_space<vmem>>)
      %add3A_358 = arith.constant 7 : i32
      %add3A_359 = arith.addi %mul3A_237, %add3A_358 : i32
      %dma_start3A_360 = arith.constant 0 : i32
      %dma_start3A_361 = tpu.memref_slice %arg8[%add3A_359, %dma_start3A_360] : memref<80x128xi32, #tpu.memory_space<vmem>> -> memref<1x128xi32, #tpu.memory_space<vmem>>
      %dma_start3A_362 = tpu.memref_squeeze %dma_start3A_361 : memref<1x128xi32, #tpu.memory_space<vmem>> -> memref<128xi32, #tpu.memory_space<vmem>>
      %dma_start3A_363 = arith.constant 0 : i32
      %dma_start3A_364 = arith.constant 0 : i32
      %dma_start3A_365 = tpu.memref_slice %arg17[%dma_start3A_363, %dma_start3A_364] : memref<10112x16xf32, #tpu.memory_space<vmem_shared>> -> memref<10112x16xf32, #tpu.memory_space<vmem_shared>>
      tpu.enqueue_indirect_dma source(%arg16 : memref<128x16xf32, #tpu.memory_space<vmem>>) target(%dma_start3A_365 : memref<10112x16xf32, #tpu.memory_space<vmem_shared>>) offsets(%dma_start3A_362 : memref<128xi32, #tpu.memory_space<vmem>>) semaphore(%arg33 : memref<!tpu.dma_semaphore, #tpu.memory_space<semaphore_mem>>) {add = true}
      %add3A_366 = arith.constant 0 : i32
      %add3A_367 = arith.addi %mul3A_237, %add3A_366 : i32
      %dma_wait3A_368 = arith.constant 0 : i32
      %dma_wait3A_369 = tpu.memref_slice %arg8[%add3A_367, %dma_wait3A_368] : memref<80x128xi32, #tpu.memory_space<vmem>> -> memref<1x128xi32, #tpu.memory_space<vmem>>
      %dma_wait3A_370 = tpu.memref_squeeze %dma_wait3A_369 : memref<1x128xi32, #tpu.memory_space<vmem>> -> memref<128xi32, #tpu.memory_space<vmem>>
      %dma_wait3A_371 = arith.constant 0 : i32
      %dma_wait3A_372 = arith.constant 0 : i32
      %dma_wait3A_373 = tpu.memref_slice %arg17[%dma_wait3A_371, %dma_wait3A_372] : memref<10112x16xf32, #tpu.memory_space<vmem_shared>> -> memref<10112x16xf32, #tpu.memory_space<vmem_shared>>
      tpu.wait_indirect_dma semaphore(%arg26 : memref<!tpu.dma_semaphore, #tpu.memory_space<semaphore_mem>>) src(%arg9 : memref<128x16xf32, #tpu.memory_space<vmem>>) dst(%dma_wait3A_373 : memref<10112x16xf32, #tpu.memory_space<vmem_shared>>)
      %add3A_374 = arith.constant 8 : i32
      %add3A_375 = arith.addi %mul3A_237, %add3A_374 : i32
      %add3A_376 = arith.constant 0 : i32
      %add3A_377 = arith.addi %add3A_375, %add3A_376 : i32
      %dma_start3A_378 = arith.constant 0 : i32
      %dma_start3A_379 = tpu.memref_slice %arg7[%add3A_377, %dma_start3A_378] : memref<80x128xi32, #tpu.memory_space<vmem>> -> memref<1x128xi32, #tpu.memory_space<vmem>>
      %dma_start3A_380 = tpu.memref_squeeze %dma_start3A_379 : memref<1x128xi32, #tpu.memory_space<vmem>> -> memref<128xi32, #tpu.memory_space<vmem>>
      %dma_start3A_381 = arith.constant 0 : i32
      %dma_start3A_382 = arith.constant 0 : i32
      %dma_start3A_383 = tpu.memref_slice %arg4[%dma_start3A_381, %dma_start3A_382] : memref<10112x16xf32, #tpu.memory_space<hbm>> -> memref<10112x16xf32, #tpu.memory_space<hbm>>
      tpu.enqueue_indirect_dma source(%dma_start3A_383 : memref<10112x16xf32, #tpu.memory_space<hbm>>) target(%arg9 : memref<128x16xf32, #tpu.memory_space<vmem>>) offsets(%dma_start3A_380 : memref<128xi32, #tpu.memory_space<vmem>>) semaphore(%arg18 : memref<!tpu.dma_semaphore, #tpu.memory_space<semaphore_mem>>)
      %add3A_384 = arith.constant 1 : i32
      %add3A_385 = arith.addi %mul3A_237, %add3A_384 : i32
      %dma_wait3A_386 = arith.constant 0 : i32
      %dma_wait3A_387 = tpu.memref_slice %arg8[%add3A_385, %dma_wait3A_386] : memref<80x128xi32, #tpu.memory_space<vmem>> -> memref<1x128xi32, #tpu.memory_space<vmem>>
      %dma_wait3A_388 = tpu.memref_squeeze %dma_wait3A_387 : memref<1x128xi32, #tpu.memory_space<vmem>> -> memref<128xi32, #tpu.memory_space<vmem>>
      %dma_wait3A_389 = arith.constant 0 : i32
      %dma_wait3A_390 = arith.constant 0 : i32
      %dma_wait3A_391 = tpu.memref_slice %arg17[%dma_wait3A_389, %dma_wait3A_390] : memref<10112x16xf32, #tpu.memory_space<vmem_shared>> -> memref<10112x16xf32, #tpu.memory_space<vmem_shared>>
      tpu.wait_indirect_dma semaphore(%arg27 : memref<!tpu.dma_semaphore, #tpu.memory_space<semaphore_mem>>) src(%arg10 : memref<128x16xf32, #tpu.memory_space<vmem>>) dst(%dma_wait3A_391 : memref<10112x16xf32, #tpu.memory_space<vmem_shared>>)
      %add3A_392 = arith.constant 8 : i32
      %add3A_393 = arith.addi %mul3A_237, %add3A_392 : i32
      %add3A_394 = arith.constant 1 : i32
      %add3A_395 = arith.addi %add3A_393, %add3A_394 : i32
      %dma_start3A_396 = arith.constant 0 : i32
      %dma_start3A_397 = tpu.memref_slice %arg7[%add3A_395, %dma_start3A_396] : memref<80x128xi32, #tpu.memory_space<vmem>> -> memref<1x128xi32, #tpu.memory_space<vmem>>
      %dma_start3A_398 = tpu.memref_squeeze %dma_start3A_397 : memref<1x128xi32, #tpu.memory_space<vmem>> -> memref<128xi32, #tpu.memory_space<vmem>>
      %dma_start3A_399 = arith.constant 0 : i32
      %dma_start3A_400 = arith.constant 0 : i32
      %dma_start3A_401 = tpu.memref_slice %arg4[%dma_start3A_399, %dma_start3A_400] : memref<10112x16xf32, #tpu.memory_space<hbm>> -> memref<10112x16xf32, #tpu.memory_space<hbm>>
      tpu.enqueue_indirect_dma source(%dma_start3A_401 : memref<10112x16xf32, #tpu.memory_space<hbm>>) target(%arg10 : memref<128x16xf32, #tpu.memory_space<vmem>>) offsets(%dma_start3A_398 : memref<128xi32, #tpu.memory_space<vmem>>) semaphore(%arg19 : memref<!tpu.dma_semaphore, #tpu.memory_space<semaphore_mem>>)
      %add3A_402 = arith.constant 2 : i32
      %add3A_403 = arith.addi %mul3A_237, %add3A_402 : i32
      %dma_wait3A_404 = arith.constant 0 : i32
      %dma_wait3A_405 = tpu.memref_slice %arg8[%add3A_403, %dma_wait3A_404] : memref<80x128xi32, #tpu.memory_space<vmem>> -> memref<1x128xi32, #tpu.memory_space<vmem>>
      %dma_wait3A_406 = tpu.memref_squeeze %dma_wait3A_405 : memref<1x128xi32, #tpu.memory_space<vmem>> -> memref<128xi32, #tpu.memory_space<vmem>>
      %dma_wait3A_407 = arith.constant 0 : i32
      %dma_wait3A_408 = arith.constant 0 : i32
      %dma_wait3A_409 = tpu.memref_slice %arg17[%dma_wait3A_407, %dma_wait3A_408] : memref<10112x16xf32, #tpu.memory_space<vmem_shared>> -> memref<10112x16xf32, #tpu.memory_space<vmem_shared>>
      tpu.wait_indirect_dma semaphore(%arg28 : memref<!tpu.dma_semaphore, #tpu.memory_space<semaphore_mem>>) src(%arg11 : memref<128x16xf32, #tpu.memory_space<vmem>>) dst(%dma_wait3A_409 : memref<10112x16xf32, #tpu.memory_space<vmem_shared>>)
      %add3A_410 = arith.constant 8 : i32
      %add3A_411 = arith.addi %mul3A_237, %add3A_410 : i32
      %add3A_412 = arith.constant 2 : i32
      %add3A_413 = arith.addi %add3A_411, %add3A_412 : i32
      %dma_start3A_414 = arith.constant 0 : i32
      %dma_start3A_415 = tpu.memref_slice %arg7[%add3A_413, %dma_start3A_414] : memref<80x128xi32, #tpu.memory_space<vmem>> -> memref<1x128xi32, #tpu.memory_space<vmem>>
      %dma_start3A_416 = tpu.memref_squeeze %dma_start3A_415 : memref<1x128xi32, #tpu.memory_space<vmem>> -> memref<128xi32, #tpu.memory_space<vmem>>
      %dma_start3A_417 = arith.constant 0 : i32
      %dma_start3A_418 = arith.constant 0 : i32
      %dma_start3A_419 = tpu.memref_slice %arg4[%dma_start3A_417, %dma_start3A_418] : memref<10112x16xf32, #tpu.memory_space<hbm>> -> memref<10112x16xf32, #tpu.memory_space<hbm>>
      tpu.enqueue_indirect_dma source(%dma_start3A_419 : memref<10112x16xf32, #tpu.memory_space<hbm>>) target(%arg11 : memref<128x16xf32, #tpu.memory_space<vmem>>) offsets(%dma_start3A_416 : memref<128xi32, #tpu.memory_space<vmem>>) semaphore(%arg20 : memref<!tpu.dma_semaphore, #tpu.memory_space<semaphore_mem>>)
      %add3A_420 = arith.constant 3 : i32
      %add3A_421 = arith.addi %mul3A_237, %add3A_420 : i32
      %dma_wait3A_422 = arith.constant 0 : i32
      %dma_wait3A_423 = tpu.memref_slice %arg8[%add3A_421, %dma_wait3A_422] : memref<80x128xi32, #tpu.memory_space<vmem>> -> memref<1x128xi32, #tpu.memory_space<vmem>>
      %dma_wait3A_424 = tpu.memref_squeeze %dma_wait3A_423 : memref<1x128xi32, #tpu.memory_space<vmem>> -> memref<128xi32, #tpu.memory_space<vmem>>
      %dma_wait3A_425 = arith.constant 0 : i32
      %dma_wait3A_426 = arith.constant 0 : i32
      %dma_wait3A_427 = tpu.memref_slice %arg17[%dma_wait3A_425, %dma_wait3A_426] : memref<10112x16xf32, #tpu.memory_space<vmem_shared>> -> memref<10112x16xf32, #tpu.memory_space<vmem_shared>>
      tpu.wait_indirect_dma semaphore(%arg29 : memref<!tpu.dma_semaphore, #tpu.memory_space<semaphore_mem>>) src(%arg12 : memref<128x16xf32, #tpu.memory_space<vmem>>) dst(%dma_wait3A_427 : memref<10112x16xf32, #tpu.memory_space<vmem_shared>>)
      %add3A_428 = arith.constant 8 : i32
      %add3A_429 = arith.addi %mul3A_237, %add3A_428 : i32
      %add3A_430 = arith.constant 3 : i32
      %add3A_431 = arith.addi %add3A_429, %add3A_430 : i32
      %dma_start3A_432 = arith.constant 0 : i32
      %dma_start3A_433 = tpu.memref_slice %arg7[%add3A_431, %dma_start3A_432] : memref<80x128xi32, #tpu.memory_space<vmem>> -> memref<1x128xi32, #tpu.memory_space<vmem>>
      %dma_start3A_434 = tpu.memref_squeeze %dma_start3A_433 : memref<1x128xi32, #tpu.memory_space<vmem>> -> memref<128xi32, #tpu.memory_space<vmem>>
      %dma_start3A_435 = arith.constant 0 : i32
      %dma_start3A_436 = arith.constant 0 : i32
      %dma_start3A_437 = tpu.memref_slice %arg4[%dma_start3A_435, %dma_start3A_436] : memref<10112x16xf32, #tpu.memory_space<hbm>> -> memref<10112x16xf32, #tpu.memory_space<hbm>>
      tpu.enqueue_indirect_dma source(%dma_start3A_437 : memref<10112x16xf32, #tpu.memory_space<hbm>>) target(%arg12 : memref<128x16xf32, #tpu.memory_space<vmem>>) offsets(%dma_start3A_434 : memref<128xi32, #tpu.memory_space<vmem>>) semaphore(%arg21 : memref<!tpu.dma_semaphore, #tpu.memory_space<semaphore_mem>>)
      %add3A_438 = arith.constant 4 : i32
      %add3A_439 = arith.addi %mul3A_237, %add3A_438 : i32
      %dma_wait3A_440 = arith.constant 0 : i32
      %dma_wait3A_441 = tpu.memref_slice %arg8[%add3A_439, %dma_wait3A_440] : memref<80x128xi32, #tpu.memory_space<vmem>> -> memref<1x128xi32, #tpu.memory_space<vmem>>
      %dma_wait3A_442 = tpu.memref_squeeze %dma_wait3A_441 : memref<1x128xi32, #tpu.memory_space<vmem>> -> memref<128xi32, #tpu.memory_space<vmem>>
      %dma_wait3A_443 = arith.constant 0 : i32
      %dma_wait3A_444 = arith.constant 0 : i32
      %dma_wait3A_445 = tpu.memref_slice %arg17[%dma_wait3A_443, %dma_wait3A_444] : memref<10112x16xf32, #tpu.memory_space<vmem_shared>> -> memref<10112x16xf32, #tpu.memory_space<vmem_shared>>
      tpu.wait_indirect_dma semaphore(%arg30 : memref<!tpu.dma_semaphore, #tpu.memory_space<semaphore_mem>>) src(%arg13 : memref<128x16xf32, #tpu.memory_space<vmem>>) dst(%dma_wait3A_445 : memref<10112x16xf32, #tpu.memory_space<vmem_shared>>)
      %add3A_446 = arith.constant 8 : i32
      %add3A_447 = arith.addi %mul3A_237, %add3A_446 : i32
      %add3A_448 = arith.constant 4 : i32
      %add3A_449 = arith.addi %add3A_447, %add3A_448 : i32
      %dma_start3A_450 = arith.constant 0 : i32
      %dma_start3A_451 = tpu.memref_slice %arg7[%add3A_449, %dma_start3A_450] : memref<80x128xi32, #tpu.memory_space<vmem>> -> memref<1x128xi32, #tpu.memory_space<vmem>>
      %dma_start3A_452 = tpu.memref_squeeze %dma_start3A_451 : memref<1x128xi32, #tpu.memory_space<vmem>> -> memref<128xi32, #tpu.memory_space<vmem>>
      %dma_start3A_453 = arith.constant 0 : i32
      %dma_start3A_454 = arith.constant 0 : i32
      %dma_start3A_455 = tpu.memref_slice %arg4[%dma_start3A_453, %dma_start3A_454] : memref<10112x16xf32, #tpu.memory_space<hbm>> -> memref<10112x16xf32, #tpu.memory_space<hbm>>
      tpu.enqueue_indirect_dma source(%dma_start3A_455 : memref<10112x16xf32, #tpu.memory_space<hbm>>) target(%arg13 : memref<128x16xf32, #tpu.memory_space<vmem>>) offsets(%dma_start3A_452 : memref<128xi32, #tpu.memory_space<vmem>>) semaphore(%arg22 : memref<!tpu.dma_semaphore, #tpu.memory_space<semaphore_mem>>)
      %add3A_456 = arith.constant 5 : i32
      %add3A_457 = arith.addi %mul3A_237, %add3A_456 : i32
      %dma_wait3A_458 = arith.constant 0 : i32
      %dma_wait3A_459 = tpu.memref_slice %arg8[%add3A_457, %dma_wait3A_458] : memref<80x128xi32, #tpu.memory_space<vmem>> -> memref<1x128xi32, #tpu.memory_space<vmem>>
      %dma_wait3A_460 = tpu.memref_squeeze %dma_wait3A_459 : memref<1x128xi32, #tpu.memory_space<vmem>> -> memref<128xi32, #tpu.memory_space<vmem>>
      %dma_wait3A_461 = arith.constant 0 : i32
      %dma_wait3A_462 = arith.constant 0 : i32
      %dma_wait3A_463 = tpu.memref_slice %arg17[%dma_wait3A_461, %dma_wait3A_462] : memref<10112x16xf32, #tpu.memory_space<vmem_shared>> -> memref<10112x16xf32, #tpu.memory_space<vmem_shared>>
      tpu.wait_indirect_dma semaphore(%arg31 : memref<!tpu.dma_semaphore, #tpu.memory_space<semaphore_mem>>) src(%arg14 : memref<128x16xf32, #tpu.memory_space<vmem>>) dst(%dma_wait3A_463 : memref<10112x16xf32, #tpu.memory_space<vmem_shared>>)
      %add3A_464 = arith.constant 8 : i32
      %add3A_465 = arith.addi %mul3A_237, %add3A_464 : i32
      %add3A_466 = arith.constant 5 : i32
      %add3A_467 = arith.addi %add3A_465, %add3A_466 : i32
      %dma_start3A_468 = arith.constant 0 : i32
      %dma_start3A_469 = tpu.memref_slice %arg7[%add3A_467, %dma_start3A_468] : memref<80x128xi32, #tpu.memory_space<vmem>> -> memref<1x128xi32, #tpu.memory_space<vmem>>
      %dma_start3A_470 = tpu.memref_squeeze %dma_start3A_469 : memref<1x128xi32, #tpu.memory_space<vmem>> -> memref<128xi32, #tpu.memory_space<vmem>>
      %dma_start3A_471 = arith.constant 0 : i32
      %dma_start3A_472 = arith.constant 0 : i32
      %dma_start3A_473 = tpu.memref_slice %arg4[%dma_start3A_471, %dma_start3A_472] : memref<10112x16xf32, #tpu.memory_space<hbm>> -> memref<10112x16xf32, #tpu.memory_space<hbm>>
      tpu.enqueue_indirect_dma source(%dma_start3A_473 : memref<10112x16xf32, #tpu.memory_space<hbm>>) target(%arg14 : memref<128x16xf32, #tpu.memory_space<vmem>>) offsets(%dma_start3A_470 : memref<128xi32, #tpu.memory_space<vmem>>) semaphore(%arg23 : memref<!tpu.dma_semaphore, #tpu.memory_space<semaphore_mem>>)
      %add3A_474 = arith.constant 6 : i32
      %add3A_475 = arith.addi %mul3A_237, %add3A_474 : i32
      %dma_wait3A_476 = arith.constant 0 : i32
      %dma_wait3A_477 = tpu.memref_slice %arg8[%add3A_475, %dma_wait3A_476] : memref<80x128xi32, #tpu.memory_space<vmem>> -> memref<1x128xi32, #tpu.memory_space<vmem>>
      %dma_wait3A_478 = tpu.memref_squeeze %dma_wait3A_477 : memref<1x128xi32, #tpu.memory_space<vmem>> -> memref<128xi32, #tpu.memory_space<vmem>>
      %dma_wait3A_479 = arith.constant 0 : i32
      %dma_wait3A_480 = arith.constant 0 : i32
      %dma_wait3A_481 = tpu.memref_slice %arg17[%dma_wait3A_479, %dma_wait3A_480] : memref<10112x16xf32, #tpu.memory_space<vmem_shared>> -> memref<10112x16xf32, #tpu.memory_space<vmem_shared>>
      tpu.wait_indirect_dma semaphore(%arg32 : memref<!tpu.dma_semaphore, #tpu.memory_space<semaphore_mem>>) src(%arg15 : memref<128x16xf32, #tpu.memory_space<vmem>>) dst(%dma_wait3A_481 : memref<10112x16xf32, #tpu.memory_space<vmem_shared>>)
      %add3A_482 = arith.constant 8 : i32
      %add3A_483 = arith.addi %mul3A_237, %add3A_482 : i32
      %add3A_484 = arith.constant 6 : i32
      %add3A_485 = arith.addi %add3A_483, %add3A_484 : i32
      %dma_start3A_486 = arith.constant 0 : i32
      %dma_start3A_487 = tpu.memref_slice %arg7[%add3A_485, %dma_start3A_486] : memref<80x128xi32, #tpu.memory_space<vmem>> -> memref<1x128xi32, #tpu.memory_space<vmem>>
      %dma_start3A_488 = tpu.memref_squeeze %dma_start3A_487 : memref<1x128xi32, #tpu.memory_space<vmem>> -> memref<128xi32, #tpu.memory_space<vmem>>
      %dma_start3A_489 = arith.constant 0 : i32
      %dma_start3A_490 = arith.constant 0 : i32
      %dma_start3A_491 = tpu.memref_slice %arg4[%dma_start3A_489, %dma_start3A_490] : memref<10112x16xf32, #tpu.memory_space<hbm>> -> memref<10112x16xf32, #tpu.memory_space<hbm>>
      tpu.enqueue_indirect_dma source(%dma_start3A_491 : memref<10112x16xf32, #tpu.memory_space<hbm>>) target(%arg15 : memref<128x16xf32, #tpu.memory_space<vmem>>) offsets(%dma_start3A_488 : memref<128xi32, #tpu.memory_space<vmem>>) semaphore(%arg24 : memref<!tpu.dma_semaphore, #tpu.memory_space<semaphore_mem>>)
      %add3A_492 = arith.constant 7 : i32
      %add3A_493 = arith.addi %mul3A_237, %add3A_492 : i32
      %dma_wait3A_494 = arith.constant 0 : i32
      %dma_wait3A_495 = tpu.memref_slice %arg8[%add3A_493, %dma_wait3A_494] : memref<80x128xi32, #tpu.memory_space<vmem>> -> memref<1x128xi32, #tpu.memory_space<vmem>>
      %dma_wait3A_496 = tpu.memref_squeeze %dma_wait3A_495 : memref<1x128xi32, #tpu.memory_space<vmem>> -> memref<128xi32, #tpu.memory_space<vmem>>
      %dma_wait3A_497 = arith.constant 0 : i32
      %dma_wait3A_498 = arith.constant 0 : i32
      %dma_wait3A_499 = tpu.memref_slice %arg17[%dma_wait3A_497, %dma_wait3A_498] : memref<10112x16xf32, #tpu.memory_space<vmem_shared>> -> memref<10112x16xf32, #tpu.memory_space<vmem_shared>>
      tpu.wait_indirect_dma semaphore(%arg33 : memref<!tpu.dma_semaphore, #tpu.memory_space<semaphore_mem>>) src(%arg16 : memref<128x16xf32, #tpu.memory_space<vmem>>) dst(%dma_wait3A_499 : memref<10112x16xf32, #tpu.memory_space<vmem_shared>>)
      %add3A_500 = arith.constant 8 : i32
      %add3A_501 = arith.addi %mul3A_237, %add3A_500 : i32
      %add3A_502 = arith.constant 7 : i32
      %add3A_503 = arith.addi %add3A_501, %add3A_502 : i32
      %dma_start3A_504 = arith.constant 0 : i32
      %dma_start3A_505 = tpu.memref_slice %arg7[%add3A_503, %dma_start3A_504] : memref<80x128xi32, #tpu.memory_space<vmem>> -> memref<1x128xi32, #tpu.memory_space<vmem>>
      %dma_start3A_506 = tpu.memref_squeeze %dma_start3A_505 : memref<1x128xi32, #tpu.memory_space<vmem>> -> memref<128xi32, #tpu.memory_space<vmem>>
      %dma_start3A_507 = arith.constant 0 : i32
      %dma_start3A_508 = arith.constant 0 : i32
      %dma_start3A_509 = tpu.memref_slice %arg4[%dma_start3A_507, %dma_start3A_508] : memref<10112x16xf32, #tpu.memory_space<hbm>> -> memref<10112x16xf32, #tpu.memory_space<hbm>>
      tpu.enqueue_indirect_dma source(%dma_start3A_509 : memref<10112x16xf32, #tpu.memory_space<hbm>>) target(%arg16 : memref<128x16xf32, #tpu.memory_space<vmem>>) offsets(%dma_start3A_506 : memref<128xi32, #tpu.memory_space<vmem>>) semaphore(%arg25 : memref<!tpu.dma_semaphore, #tpu.memory_space<semaphore_mem>>)
    }
    %scan3A_62 = arith.constant 9 : i32
    %dma_wait3A = arith.constant 72 : i32
    %dma_wait3A_63 = arith.constant 0 : i32
    %dma_wait3A_64 = tpu.memref_slice %arg7[%dma_wait3A, %dma_wait3A_63] : memref<80x128xi32, #tpu.memory_space<vmem>> -> memref<1x128xi32, #tpu.memory_space<vmem>>
    %dma_wait3A_65 = tpu.memref_squeeze %dma_wait3A_64 : memref<1x128xi32, #tpu.memory_space<vmem>> -> memref<128xi32, #tpu.memory_space<vmem>>
    %dma_wait3A_66 = arith.constant 0 : i32
    %dma_wait3A_67 = arith.constant 0 : i32
    %dma_wait3A_68 = tpu.memref_slice %arg4[%dma_wait3A_66, %dma_wait3A_67] : memref<10112x16xf32, #tpu.memory_space<hbm>> -> memref<10112x16xf32, #tpu.memory_space<hbm>>
    tpu.wait_indirect_dma semaphore(%arg18 : memref<!tpu.dma_semaphore, #tpu.memory_space<semaphore_mem>>) src(%dma_wait3A_68 : memref<10112x16xf32, #tpu.memory_space<hbm>>) dst(%arg9 : memref<128x16xf32, #tpu.memory_space<vmem>>)
    %dma_start3A_69 = arith.constant 72 : i32
    %dma_start3A_70 = arith.constant 0 : i32
    %dma_start3A_71 = tpu.memref_slice %arg8[%dma_start3A_69, %dma_start3A_70] : memref<80x128xi32, #tpu.memory_space<vmem>> -> memref<1x128xi32, #tpu.memory_space<vmem>>
    %dma_start3A_72 = tpu.memref_squeeze %dma_start3A_71 : memref<1x128xi32, #tpu.memory_space<vmem>> -> memref<128xi32, #tpu.memory_space<vmem>>
    %dma_start3A_73 = arith.constant 0 : i32
    %dma_start3A_74 = arith.constant 0 : i32
    %dma_start3A_75 = tpu.memref_slice %arg17[%dma_start3A_73, %dma_start3A_74] : memref<10112x16xf32, #tpu.memory_space<vmem_shared>> -> memref<10112x16xf32, #tpu.memory_space<vmem_shared>>
    tpu.enqueue_indirect_dma source(%arg9 : memref<128x16xf32, #tpu.memory_space<vmem>>) target(%dma_start3A_75 : memref<10112x16xf32, #tpu.memory_space<vmem_shared>>) offsets(%dma_start3A_72 : memref<128xi32, #tpu.memory_space<vmem>>) semaphore(%arg26 : memref<!tpu.dma_semaphore, #tpu.memory_space<semaphore_mem>>) {add = true}
    %dma_wait3A_76 = arith.constant 73 : i32
    %dma_wait3A_77 = arith.constant 0 : i32
    %dma_wait3A_78 = tpu.memref_slice %arg7[%dma_wait3A_76, %dma_wait3A_77] : memref<80x128xi32, #tpu.memory_space<vmem>> -> memref<1x128xi32, #tpu.memory_space<vmem>>
    %dma_wait3A_79 = tpu.memref_squeeze %dma_wait3A_78 : memref<1x128xi32, #tpu.memory_space<vmem>> -> memref<128xi32, #tpu.memory_space<vmem>>
    %dma_wait3A_80 = arith.constant 0 : i32
    %dma_wait3A_81 = arith.constant 0 : i32
    %dma_wait3A_82 = tpu.memref_slice %arg4[%dma_wait3A_80, %dma_wait3A_81] : memref<10112x16xf32, #tpu.memory_space<hbm>> -> memref<10112x16xf32, #tpu.memory_space<hbm>>
    tpu.wait_indirect_dma semaphore(%arg19 : memref<!tpu.dma_semaphore, #tpu.memory_space<semaphore_mem>>) src(%dma_wait3A_82 : memref<10112x16xf32, #tpu.memory_space<hbm>>) dst(%arg10 : memref<128x16xf32, #tpu.memory_space<vmem>>)
    %dma_start3A_83 = arith.constant 73 : i32
    %dma_start3A_84 = arith.constant 0 : i32
    %dma_start3A_85 = tpu.memref_slice %arg8[%dma_start3A_83, %dma_start3A_84] : memref<80x128xi32, #tpu.memory_space<vmem>> -> memref<1x128xi32, #tpu.memory_space<vmem>>
    %dma_start3A_86 = tpu.memref_squeeze %dma_start3A_85 : memref<1x128xi32, #tpu.memory_space<vmem>> -> memref<128xi32, #tpu.memory_space<vmem>>
    %dma_start3A_87 = arith.constant 0 : i32
    %dma_start3A_88 = arith.constant 0 : i32
    %dma_start3A_89 = tpu.memref_slice %arg17[%dma_start3A_87, %dma_start3A_88] : memref<10112x16xf32, #tpu.memory_space<vmem_shared>> -> memref<10112x16xf32, #tpu.memory_space<vmem_shared>>
    tpu.enqueue_indirect_dma source(%arg10 : memref<128x16xf32, #tpu.memory_space<vmem>>) target(%dma_start3A_89 : memref<10112x16xf32, #tpu.memory_space<vmem_shared>>) offsets(%dma_start3A_86 : memref<128xi32, #tpu.memory_space<vmem>>) semaphore(%arg27 : memref<!tpu.dma_semaphore, #tpu.memory_space<semaphore_mem>>) {add = true}
    %dma_wait3A_90 = arith.constant 74 : i32
    %dma_wait3A_91 = arith.constant 0 : i32
    %dma_wait3A_92 = tpu.memref_slice %arg7[%dma_wait3A_90, %dma_wait3A_91] : memref<80x128xi32, #tpu.memory_space<vmem>> -> memref<1x128xi32, #tpu.memory_space<vmem>>
    %dma_wait3A_93 = tpu.memref_squeeze %dma_wait3A_92 : memref<1x128xi32, #tpu.memory_space<vmem>> -> memref<128xi32, #tpu.memory_space<vmem>>
    %dma_wait3A_94 = arith.constant 0 : i32
    %dma_wait3A_95 = arith.constant 0 : i32
    %dma_wait3A_96 = tpu.memref_slice %arg4[%dma_wait3A_94, %dma_wait3A_95] : memref<10112x16xf32, #tpu.memory_space<hbm>> -> memref<10112x16xf32, #tpu.memory_space<hbm>>
    tpu.wait_indirect_dma semaphore(%arg20 : memref<!tpu.dma_semaphore, #tpu.memory_space<semaphore_mem>>) src(%dma_wait3A_96 : memref<10112x16xf32, #tpu.memory_space<hbm>>) dst(%arg11 : memref<128x16xf32, #tpu.memory_space<vmem>>)
    %dma_start3A_97 = arith.constant 74 : i32
    %dma_start3A_98 = arith.constant 0 : i32
    %dma_start3A_99 = tpu.memref_slice %arg8[%dma_start3A_97, %dma_start3A_98] : memref<80x128xi32, #tpu.memory_space<vmem>> -> memref<1x128xi32, #tpu.memory_space<vmem>>
    %dma_start3A_100 = tpu.memref_squeeze %dma_start3A_99 : memref<1x128xi32, #tpu.memory_space<vmem>> -> memref<128xi32, #tpu.memory_space<vmem>>
    %dma_start3A_101 = arith.constant 0 : i32
    %dma_start3A_102 = arith.constant 0 : i32
    %dma_start3A_103 = tpu.memref_slice %arg17[%dma_start3A_101, %dma_start3A_102] : memref<10112x16xf32, #tpu.memory_space<vmem_shared>> -> memref<10112x16xf32, #tpu.memory_space<vmem_shared>>
    tpu.enqueue_indirect_dma source(%arg11 : memref<128x16xf32, #tpu.memory_space<vmem>>) target(%dma_start3A_103 : memref<10112x16xf32, #tpu.memory_space<vmem_shared>>) offsets(%dma_start3A_100 : memref<128xi32, #tpu.memory_space<vmem>>) semaphore(%arg28 : memref<!tpu.dma_semaphore, #tpu.memory_space<semaphore_mem>>) {add = true}
    %dma_wait3A_104 = arith.constant 75 : i32
    %dma_wait3A_105 = arith.constant 0 : i32
    %dma_wait3A_106 = tpu.memref_slice %arg7[%dma_wait3A_104, %dma_wait3A_105] : memref<80x128xi32, #tpu.memory_space<vmem>> -> memref<1x128xi32, #tpu.memory_space<vmem>>
    %dma_wait3A_107 = tpu.memref_squeeze %dma_wait3A_106 : memref<1x128xi32, #tpu.memory_space<vmem>> -> memref<128xi32, #tpu.memory_space<vmem>>
    %dma_wait3A_108 = arith.constant 0 : i32
    %dma_wait3A_109 = arith.constant 0 : i32
    %dma_wait3A_110 = tpu.memref_slice %arg4[%dma_wait3A_108, %dma_wait3A_109] : memref<10112x16xf32, #tpu.memory_space<hbm>> -> memref<10112x16xf32, #tpu.memory_space<hbm>>
    tpu.wait_indirect_dma semaphore(%arg21 : memref<!tpu.dma_semaphore, #tpu.memory_space<semaphore_mem>>) src(%dma_wait3A_110 : memref<10112x16xf32, #tpu.memory_space<hbm>>) dst(%arg12 : memref<128x16xf32, #tpu.memory_space<vmem>>)
    %dma_start3A_111 = arith.constant 75 : i32
    %dma_start3A_112 = arith.constant 0 : i32
    %dma_start3A_113 = tpu.memref_slice %arg8[%dma_start3A_111, %dma_start3A_112] : memref<80x128xi32, #tpu.memory_space<vmem>> -> memref<1x128xi32, #tpu.memory_space<vmem>>
    %dma_start3A_114 = tpu.memref_squeeze %dma_start3A_113 : memref<1x128xi32, #tpu.memory_space<vmem>> -> memref<128xi32, #tpu.memory_space<vmem>>
    %dma_start3A_115 = arith.constant 0 : i32
    %dma_start3A_116 = arith.constant 0 : i32
    %dma_start3A_117 = tpu.memref_slice %arg17[%dma_start3A_115, %dma_start3A_116] : memref<10112x16xf32, #tpu.memory_space<vmem_shared>> -> memref<10112x16xf32, #tpu.memory_space<vmem_shared>>
    tpu.enqueue_indirect_dma source(%arg12 : memref<128x16xf32, #tpu.memory_space<vmem>>) target(%dma_start3A_117 : memref<10112x16xf32, #tpu.memory_space<vmem_shared>>) offsets(%dma_start3A_114 : memref<128xi32, #tpu.memory_space<vmem>>) semaphore(%arg29 : memref<!tpu.dma_semaphore, #tpu.memory_space<semaphore_mem>>) {add = true}
    %dma_wait3A_118 = arith.constant 76 : i32
    %dma_wait3A_119 = arith.constant 0 : i32
    %dma_wait3A_120 = tpu.memref_slice %arg7[%dma_wait3A_118, %dma_wait3A_119] : memref<80x128xi32, #tpu.memory_space<vmem>> -> memref<1x128xi32, #tpu.memory_space<vmem>>
    %dma_wait3A_121 = tpu.memref_squeeze %dma_wait3A_120 : memref<1x128xi32, #tpu.memory_space<vmem>> -> memref<128xi32, #tpu.memory_space<vmem>>
    %dma_wait3A_122 = arith.constant 0 : i32
    %dma_wait3A_123 = arith.constant 0 : i32
    %dma_wait3A_124 = tpu.memref_slice %arg4[%dma_wait3A_122, %dma_wait3A_123] : memref<10112x16xf32, #tpu.memory_space<hbm>> -> memref<10112x16xf32, #tpu.memory_space<hbm>>
    tpu.wait_indirect_dma semaphore(%arg22 : memref<!tpu.dma_semaphore, #tpu.memory_space<semaphore_mem>>) src(%dma_wait3A_124 : memref<10112x16xf32, #tpu.memory_space<hbm>>) dst(%arg13 : memref<128x16xf32, #tpu.memory_space<vmem>>)
    %dma_start3A_125 = arith.constant 76 : i32
    %dma_start3A_126 = arith.constant 0 : i32
    %dma_start3A_127 = tpu.memref_slice %arg8[%dma_start3A_125, %dma_start3A_126] : memref<80x128xi32, #tpu.memory_space<vmem>> -> memref<1x128xi32, #tpu.memory_space<vmem>>
    %dma_start3A_128 = tpu.memref_squeeze %dma_start3A_127 : memref<1x128xi32, #tpu.memory_space<vmem>> -> memref<128xi32, #tpu.memory_space<vmem>>
    %dma_start3A_129 = arith.constant 0 : i32
    %dma_start3A_130 = arith.constant 0 : i32
    %dma_start3A_131 = tpu.memref_slice %arg17[%dma_start3A_129, %dma_start3A_130] : memref<10112x16xf32, #tpu.memory_space<vmem_shared>> -> memref<10112x16xf32, #tpu.memory_space<vmem_shared>>
    tpu.enqueue_indirect_dma source(%arg13 : memref<128x16xf32, #tpu.memory_space<vmem>>) target(%dma_start3A_131 : memref<10112x16xf32, #tpu.memory_space<vmem_shared>>) offsets(%dma_start3A_128 : memref<128xi32, #tpu.memory_space<vmem>>) semaphore(%arg30 : memref<!tpu.dma_semaphore, #tpu.memory_space<semaphore_mem>>) {add = true}
    %dma_wait3A_132 = arith.constant 77 : i32
    %dma_wait3A_133 = arith.constant 0 : i32
    %dma_wait3A_134 = tpu.memref_slice %arg7[%dma_wait3A_132, %dma_wait3A_133] : memref<80x128xi32, #tpu.memory_space<vmem>> -> memref<1x128xi32, #tpu.memory_space<vmem>>
    %dma_wait3A_135 = tpu.memref_squeeze %dma_wait3A_134 : memref<1x128xi32, #tpu.memory_space<vmem>> -> memref<128xi32, #tpu.memory_space<vmem>>
    %dma_wait3A_136 = arith.constant 0 : i32
    %dma_wait3A_137 = arith.constant 0 : i32
    %dma_wait3A_138 = tpu.memref_slice %arg4[%dma_wait3A_136, %dma_wait3A_137] : memref<10112x16xf32, #tpu.memory_space<hbm>> -> memref<10112x16xf32, #tpu.memory_space<hbm>>
    tpu.wait_indirect_dma semaphore(%arg23 : memref<!tpu.dma_semaphore, #tpu.memory_space<semaphore_mem>>) src(%dma_wait3A_138 : memref<10112x16xf32, #tpu.memory_space<hbm>>) dst(%arg14 : memref<128x16xf32, #tpu.memory_space<vmem>>)
    %dma_start3A_139 = arith.constant 77 : i32
    %dma_start3A_140 = arith.constant 0 : i32
    %dma_start3A_141 = tpu.memref_slice %arg8[%dma_start3A_139, %dma_start3A_140] : memref<80x128xi32, #tpu.memory_space<vmem>> -> memref<1x128xi32, #tpu.memory_space<vmem>>
    %dma_start3A_142 = tpu.memref_squeeze %dma_start3A_141 : memref<1x128xi32, #tpu.memory_space<vmem>> -> memref<128xi32, #tpu.memory_space<vmem>>
    %dma_start3A_143 = arith.constant 0 : i32
    %dma_start3A_144 = arith.constant 0 : i32
    %dma_start3A_145 = tpu.memref_slice %arg17[%dma_start3A_143, %dma_start3A_144] : memref<10112x16xf32, #tpu.memory_space<vmem_shared>> -> memref<10112x16xf32, #tpu.memory_space<vmem_shared>>
    tpu.enqueue_indirect_dma source(%arg14 : memref<128x16xf32, #tpu.memory_space<vmem>>) target(%dma_start3A_145 : memref<10112x16xf32, #tpu.memory_space<vmem_shared>>) offsets(%dma_start3A_142 : memref<128xi32, #tpu.memory_space<vmem>>) semaphore(%arg31 : memref<!tpu.dma_semaphore, #tpu.memory_space<semaphore_mem>>) {add = true}
    %dma_wait3A_146 = arith.constant 78 : i32
    %dma_wait3A_147 = arith.constant 0 : i32
    %dma_wait3A_148 = tpu.memref_slice %arg7[%dma_wait3A_146, %dma_wait3A_147] : memref<80x128xi32, #tpu.memory_space<vmem>> -> memref<1x128xi32, #tpu.memory_space<vmem>>
    %dma_wait3A_149 = tpu.memref_squeeze %dma_wait3A_148 : memref<1x128xi32, #tpu.memory_space<vmem>> -> memref<128xi32, #tpu.memory_space<vmem>>
    %dma_wait3A_150 = arith.constant 0 : i32
    %dma_wait3A_151 = arith.constant 0 : i32
    %dma_wait3A_152 = tpu.memref_slice %arg4[%dma_wait3A_150, %dma_wait3A_151] : memref<10112x16xf32, #tpu.memory_space<hbm>> -> memref<10112x16xf32, #tpu.memory_space<hbm>>
    tpu.wait_indirect_dma semaphore(%arg24 : memref<!tpu.dma_semaphore, #tpu.memory_space<semaphore_mem>>) src(%dma_wait3A_152 : memref<10112x16xf32, #tpu.memory_space<hbm>>) dst(%arg15 : memref<128x16xf32, #tpu.memory_space<vmem>>)
    %dma_start3A_153 = arith.constant 78 : i32
    %dma_start3A_154 = arith.constant 0 : i32
    %dma_start3A_155 = tpu.memref_slice %arg8[%dma_start3A_153, %dma_start3A_154] : memref<80x128xi32, #tpu.memory_space<vmem>> -> memref<1x128xi32, #tpu.memory_space<vmem>>
    %dma_start3A_156 = tpu.memref_squeeze %dma_start3A_155 : memref<1x128xi32, #tpu.memory_space<vmem>> -> memref<128xi32, #tpu.memory_space<vmem>>
    %dma_start3A_157 = arith.constant 0 : i32
    %dma_start3A_158 = arith.constant 0 : i32
    %dma_start3A_159 = tpu.memref_slice %arg17[%dma_start3A_157, %dma_start3A_158] : memref<10112x16xf32, #tpu.memory_space<vmem_shared>> -> memref<10112x16xf32, #tpu.memory_space<vmem_shared>>
    tpu.enqueue_indirect_dma source(%arg15 : memref<128x16xf32, #tpu.memory_space<vmem>>) target(%dma_start3A_159 : memref<10112x16xf32, #tpu.memory_space<vmem_shared>>) offsets(%dma_start3A_156 : memref<128xi32, #tpu.memory_space<vmem>>) semaphore(%arg32 : memref<!tpu.dma_semaphore, #tpu.memory_space<semaphore_mem>>) {add = true}
    %dma_wait3A_160 = arith.constant 79 : i32
    %dma_wait3A_161 = arith.constant 0 : i32
    %dma_wait3A_162 = tpu.memref_slice %arg7[%dma_wait3A_160, %dma_wait3A_161] : memref<80x128xi32, #tpu.memory_space<vmem>> -> memref<1x128xi32, #tpu.memory_space<vmem>>
    %dma_wait3A_163 = tpu.memref_squeeze %dma_wait3A_162 : memref<1x128xi32, #tpu.memory_space<vmem>> -> memref<128xi32, #tpu.memory_space<vmem>>
    %dma_wait3A_164 = arith.constant 0 : i32
    %dma_wait3A_165 = arith.constant 0 : i32
    %dma_wait3A_166 = tpu.memref_slice %arg4[%dma_wait3A_164, %dma_wait3A_165] : memref<10112x16xf32, #tpu.memory_space<hbm>> -> memref<10112x16xf32, #tpu.memory_space<hbm>>
    tpu.wait_indirect_dma semaphore(%arg25 : memref<!tpu.dma_semaphore, #tpu.memory_space<semaphore_mem>>) src(%dma_wait3A_166 : memref<10112x16xf32, #tpu.memory_space<hbm>>) dst(%arg16 : memref<128x16xf32, #tpu.memory_space<vmem>>)
    %dma_start3A_167 = arith.constant 79 : i32
    %dma_start3A_168 = arith.constant 0 : i32
    %dma_start3A_169 = tpu.memref_slice %arg8[%dma_start3A_167, %dma_start3A_168] : memref<80x128xi32, #tpu.memory_space<vmem>> -> memref<1x128xi32, #tpu.memory_space<vmem>>
    %dma_start3A_170 = tpu.memref_squeeze %dma_start3A_169 : memref<1x128xi32, #tpu.memory_space<vmem>> -> memref<128xi32, #tpu.memory_space<vmem>>
    %dma_start3A_171 = arith.constant 0 : i32
    %dma_start3A_172 = arith.constant 0 : i32
    %dma_start3A_173 = tpu.memref_slice %arg17[%dma_start3A_171, %dma_start3A_172] : memref<10112x16xf32, #tpu.memory_space<vmem_shared>> -> memref<10112x16xf32, #tpu.memory_space<vmem_shared>>
    tpu.enqueue_indirect_dma source(%arg16 : memref<128x16xf32, #tpu.memory_space<vmem>>) target(%dma_start3A_173 : memref<10112x16xf32, #tpu.memory_space<vmem_shared>>) offsets(%dma_start3A_170 : memref<128xi32, #tpu.memory_space<vmem>>) semaphore(%arg33 : memref<!tpu.dma_semaphore, #tpu.memory_space<semaphore_mem>>) {add = true}
    %dma_wait3A_174 = arith.constant 72 : i32
    %dma_wait3A_175 = arith.constant 0 : i32
    %dma_wait3A_176 = tpu.memref_slice %arg8[%dma_wait3A_174, %dma_wait3A_175] : memref<80x128xi32, #tpu.memory_space<vmem>> -> memref<1x128xi32, #tpu.memory_space<vmem>>
    %dma_wait3A_177 = tpu.memref_squeeze %dma_wait3A_176 : memref<1x128xi32, #tpu.memory_space<vmem>> -> memref<128xi32, #tpu.memory_space<vmem>>
    %dma_wait3A_178 = arith.constant 0 : i32
    %dma_wait3A_179 = arith.constant 0 : i32
    %dma_wait3A_180 = tpu.memref_slice %arg17[%dma_wait3A_178, %dma_wait3A_179] : memref<10112x16xf32, #tpu.memory_space<vmem_shared>> -> memref<10112x16xf32, #tpu.memory_space<vmem_shared>>
    tpu.wait_indirect_dma semaphore(%arg26 : memref<!tpu.dma_semaphore, #tpu.memory_space<semaphore_mem>>) src(%arg9 : memref<128x16xf32, #tpu.memory_space<vmem>>) dst(%dma_wait3A_180 : memref<10112x16xf32, #tpu.memory_space<vmem_shared>>)
    %dma_wait3A_181 = arith.constant 73 : i32
    %dma_wait3A_182 = arith.constant 0 : i32
    %dma_wait3A_183 = tpu.memref_slice %arg8[%dma_wait3A_181, %dma_wait3A_182] : memref<80x128xi32, #tpu.memory_space<vmem>> -> memref<1x128xi32, #tpu.memory_space<vmem>>
    %dma_wait3A_184 = tpu.memref_squeeze %dma_wait3A_183 : memref<1x128xi32, #tpu.memory_space<vmem>> -> memref<128xi32, #tpu.memory_space<vmem>>
    %dma_wait3A_185 = arith.constant 0 : i32
    %dma_wait3A_186 = arith.constant 0 : i32
    %dma_wait3A_187 = tpu.memref_slice %arg17[%dma_wait3A_185, %dma_wait3A_186] : memref<10112x16xf32, #tpu.memory_space<vmem_shared>> -> memref<10112x16xf32, #tpu.memory_space<vmem_shared>>
    tpu.wait_indirect_dma semaphore(%arg27 : memref<!tpu.dma_semaphore, #tpu.memory_space<semaphore_mem>>) src(%arg10 : memref<128x16xf32, #tpu.memory_space<vmem>>) dst(%dma_wait3A_187 : memref<10112x16xf32, #tpu.memory_space<vmem_shared>>)
    %dma_wait3A_188 = arith.constant 74 : i32
    %dma_wait3A_189 = arith.constant 0 : i32
    %dma_wait3A_190 = tpu.memref_slice %arg8[%dma_wait3A_188, %dma_wait3A_189] : memref<80x128xi32, #tpu.memory_space<vmem>> -> memref<1x128xi32, #tpu.memory_space<vmem>>
    %dma_wait3A_191 = tpu.memref_squeeze %dma_wait3A_190 : memref<1x128xi32, #tpu.memory_space<vmem>> -> memref<128xi32, #tpu.memory_space<vmem>>
    %dma_wait3A_192 = arith.constant 0 : i32
    %dma_wait3A_193 = arith.constant 0 : i32
    %dma_wait3A_194 = tpu.memref_slice %arg17[%dma_wait3A_192, %dma_wait3A_193] : memref<10112x16xf32, #tpu.memory_space<vmem_shared>> -> memref<10112x16xf32, #tpu.memory_space<vmem_shared>>
    tpu.wait_indirect_dma semaphore(%arg28 : memref<!tpu.dma_semaphore, #tpu.memory_space<semaphore_mem>>) src(%arg11 : memref<128x16xf32, #tpu.memory_space<vmem>>) dst(%dma_wait3A_194 : memref<10112x16xf32, #tpu.memory_space<vmem_shared>>)
    %dma_wait3A_195 = arith.constant 75 : i32
    %dma_wait3A_196 = arith.constant 0 : i32
    %dma_wait3A_197 = tpu.memref_slice %arg8[%dma_wait3A_195, %dma_wait3A_196] : memref<80x128xi32, #tpu.memory_space<vmem>> -> memref<1x128xi32, #tpu.memory_space<vmem>>
    %dma_wait3A_198 = tpu.memref_squeeze %dma_wait3A_197 : memref<1x128xi32, #tpu.memory_space<vmem>> -> memref<128xi32, #tpu.memory_space<vmem>>
    %dma_wait3A_199 = arith.constant 0 : i32
    %dma_wait3A_200 = arith.constant 0 : i32
    %dma_wait3A_201 = tpu.memref_slice %arg17[%dma_wait3A_199, %dma_wait3A_200] : memref<10112x16xf32, #tpu.memory_space<vmem_shared>> -> memref<10112x16xf32, #tpu.memory_space<vmem_shared>>
    tpu.wait_indirect_dma semaphore(%arg29 : memref<!tpu.dma_semaphore, #tpu.memory_space<semaphore_mem>>) src(%arg12 : memref<128x16xf32, #tpu.memory_space<vmem>>) dst(%dma_wait3A_201 : memref<10112x16xf32, #tpu.memory_space<vmem_shared>>)
    %dma_wait3A_202 = arith.constant 76 : i32
    %dma_wait3A_203 = arith.constant 0 : i32
    %dma_wait3A_204 = tpu.memref_slice %arg8[%dma_wait3A_202, %dma_wait3A_203] : memref<80x128xi32, #tpu.memory_space<vmem>> -> memref<1x128xi32, #tpu.memory_space<vmem>>
    %dma_wait3A_205 = tpu.memref_squeeze %dma_wait3A_204 : memref<1x128xi32, #tpu.memory_space<vmem>> -> memref<128xi32, #tpu.memory_space<vmem>>
    %dma_wait3A_206 = arith.constant 0 : i32
    %dma_wait3A_207 = arith.constant 0 : i32
    %dma_wait3A_208 = tpu.memref_slice %arg17[%dma_wait3A_206, %dma_wait3A_207] : memref<10112x16xf32, #tpu.memory_space<vmem_shared>> -> memref<10112x16xf32, #tpu.memory_space<vmem_shared>>
    tpu.wait_indirect_dma semaphore(%arg30 : memref<!tpu.dma_semaphore, #tpu.memory_space<semaphore_mem>>) src(%arg13 : memref<128x16xf32, #tpu.memory_space<vmem>>) dst(%dma_wait3A_208 : memref<10112x16xf32, #tpu.memory_space<vmem_shared>>)
    %dma_wait3A_209 = arith.constant 77 : i32
    %dma_wait3A_210 = arith.constant 0 : i32
    %dma_wait3A_211 = tpu.memref_slice %arg8[%dma_wait3A_209, %dma_wait3A_210] : memref<80x128xi32, #tpu.memory_space<vmem>> -> memref<1x128xi32, #tpu.memory_space<vmem>>
    %dma_wait3A_212 = tpu.memref_squeeze %dma_wait3A_211 : memref<1x128xi32, #tpu.memory_space<vmem>> -> memref<128xi32, #tpu.memory_space<vmem>>
    %dma_wait3A_213 = arith.constant 0 : i32
    %dma_wait3A_214 = arith.constant 0 : i32
    %dma_wait3A_215 = tpu.memref_slice %arg17[%dma_wait3A_213, %dma_wait3A_214] : memref<10112x16xf32, #tpu.memory_space<vmem_shared>> -> memref<10112x16xf32, #tpu.memory_space<vmem_shared>>
    tpu.wait_indirect_dma semaphore(%arg31 : memref<!tpu.dma_semaphore, #tpu.memory_space<semaphore_mem>>) src(%arg14 : memref<128x16xf32, #tpu.memory_space<vmem>>) dst(%dma_wait3A_215 : memref<10112x16xf32, #tpu.memory_space<vmem_shared>>)
    %dma_wait3A_216 = arith.constant 78 : i32
    %dma_wait3A_217 = arith.constant 0 : i32
    %dma_wait3A_218 = tpu.memref_slice %arg8[%dma_wait3A_216, %dma_wait3A_217] : memref<80x128xi32, #tpu.memory_space<vmem>> -> memref<1x128xi32, #tpu.memory_space<vmem>>
    %dma_wait3A_219 = tpu.memref_squeeze %dma_wait3A_218 : memref<1x128xi32, #tpu.memory_space<vmem>> -> memref<128xi32, #tpu.memory_space<vmem>>
    %dma_wait3A_220 = arith.constant 0 : i32
    %dma_wait3A_221 = arith.constant 0 : i32
    %dma_wait3A_222 = tpu.memref_slice %arg17[%dma_wait3A_220, %dma_wait3A_221] : memref<10112x16xf32, #tpu.memory_space<vmem_shared>> -> memref<10112x16xf32, #tpu.memory_space<vmem_shared>>
    tpu.wait_indirect_dma semaphore(%arg32 : memref<!tpu.dma_semaphore, #tpu.memory_space<semaphore_mem>>) src(%arg15 : memref<128x16xf32, #tpu.memory_space<vmem>>) dst(%dma_wait3A_222 : memref<10112x16xf32, #tpu.memory_space<vmem_shared>>)
    %dma_wait3A_223 = arith.constant 79 : i32
    %dma_wait3A_224 = arith.constant 0 : i32
    %dma_wait3A_225 = tpu.memref_slice %arg8[%dma_wait3A_223, %dma_wait3A_224] : memref<80x128xi32, #tpu.memory_space<vmem>> -> memref<1x128xi32, #tpu.memory_space<vmem>>
    %dma_wait3A_226 = tpu.memref_squeeze %dma_wait3A_225 : memref<1x128xi32, #tpu.memory_space<vmem>> -> memref<128xi32, #tpu.memory_space<vmem>>
    %dma_wait3A_227 = arith.constant 0 : i32
    %dma_wait3A_228 = arith.constant 0 : i32
    %dma_wait3A_229 = tpu.memref_slice %arg17[%dma_wait3A_227, %dma_wait3A_228] : memref<10112x16xf32, #tpu.memory_space<vmem_shared>> -> memref<10112x16xf32, #tpu.memory_space<vmem_shared>>
    tpu.wait_indirect_dma semaphore(%arg33 : memref<!tpu.dma_semaphore, #tpu.memory_space<semaphore_mem>>) src(%arg16 : memref<128x16xf32, #tpu.memory_space<vmem>>) dst(%dma_wait3A_229 : memref<10112x16xf32, #tpu.memory_space<vmem_shared>>)
    %barrier3A_230 = arith.constant 0 : index
    tpu.barrier barrier_id(%barrier3A_230)
    %mul3A_231 = arith.constant 632 : i32
    %mul3A_232 = arith.muli %arg1, %mul3A_231 : i32
    %mul3A_233 = arith.constant 632 : i32
    %mul3A_234 = arith.muli %arg1, %mul3A_233 : i32
    "tpu.region"() ({
      %run_scoped3A = tpu.sem_alloc : memref<!tpu.dma_semaphore, #tpu.memory_space<semaphore_mem>>
      %dma_start3A_235 = arith.constant 0 : i32
      %dma_start3A_236 = tpu.memref_slice %arg6[%arg0, %mul3A_234, %dma_start3A_235] : memref<2x10112x16xf32, #tpu.memory_space<hbm>> -> memref<1x632x16xf32, #tpu.memory_space<hbm>>
      %dma_start3A_237 = tpu.memref_squeeze %dma_start3A_236 : memref<1x632x16xf32, #tpu.memory_space<hbm>> -> memref<632x16xf32, #tpu.memory_space<hbm>>
      %dma_start3A_238 = arith.constant 0 : i32
      %dma_start3A_239 = tpu.memref_slice %arg17[%mul3A_232, %dma_start3A_238] : memref<10112x16xf32, #tpu.memory_space<vmem_shared>> -> memref<632x16xf32, #tpu.memory_space<vmem_shared>>
      tpu.enqueue_dma source(%dma_start3A_239 : memref<632x16xf32, #tpu.memory_space<vmem_shared>>) target(%dma_start3A_237 : memref<632x16xf32, #tpu.memory_space<hbm>>) target_semaphore(%run_scoped3A : memref<!tpu.dma_semaphore, #tpu.memory_space<semaphore_mem>>)
      %dma_wait3A_240 = arith.constant 0 : i32
      %dma_wait3A_241 = tpu.memref_slice %arg6[%arg0, %mul3A_234, %dma_wait3A_240] : memref<2x10112x16xf32, #tpu.memory_space<hbm>> -> memref<1x632x16xf32, #tpu.memory_space<hbm>>
      %dma_wait3A_242 = tpu.memref_squeeze %dma_wait3A_241 : memref<1x632x16xf32, #tpu.memory_space<hbm>> -> memref<632x16xf32, #tpu.memory_space<hbm>>
      %dma_wait3A_243 = arith.constant 0 : i32
      %dma_wait3A_244 = tpu.memref_slice %arg17[%mul3A_232, %dma_wait3A_243] : memref<10112x16xf32, #tpu.memory_space<vmem_shared>> -> memref<632x16xf32, #tpu.memory_space<vmem_shared>>
      tpu.wait_dma2 semaphore(%run_scoped3A : memref<!tpu.dma_semaphore, #tpu.memory_space<semaphore_mem>>) src(%dma_wait3A_244 : memref<632x16xf32, #tpu.memory_space<vmem_shared>>) dst(%dma_wait3A_242 : memref<632x16xf32, #tpu.memory_space<hbm>>)
      tpu.yield
    }) : () -> ()
    return
  }
}

module attributes {stable_mosaic.version = 14 : i64} {
  func.func @_tc_a_body(%arg0: memref<10000x128xf32, #tpu.memory_space<vmem>>, %arg1: memref<128x16xf32, #tpu.memory_space<vmem>>, %arg2: memref<128x16xf32, #tpu.memory_space<vmem>>, %arg3: memref<32x10112xf32, #tpu.memory_space<vmem>>, %arg4: memref<10000x16xf32, #tpu.memory_space<vmem>>, %arg5: memref<10112x16xf32, #tpu.memory_space<vmem>>, %arg6: memref<10112xf32, #tpu.memory_space<vmem>>) attributes {dimension_semantics = [], scalar_prefetch = 0 : i64, scratch_operands = 0 : i64, tpu.core_type = #tpu.core_type<tc>} {
    %get3A = arith.constant 0 : index
    %get3A_0 = arith.constant 0 : index
    %get3A_1 = vector.load %arg3[%get3A, %get3A_0] : memref<32x10112xf32, #tpu.memory_space<vmem>>, vector<32x10112xf32>
    %reduce_sum3A = arith.constant dense<0.000000e+00> : vector<10112xf32>
    %reduce_sum3A_2 = vector.multi_reduction <add>, %get3A_1, %reduce_sum3A [0] : vector<32x10112xf32> to vector<10112xf32>
    %gt3A = arith.constant 0.000000e+00 : f32
    %gt3A_3 = vector.broadcast %gt3A : f32 to vector<10112xf32>
    %gt3A_4 = arith.cmpf ogt, %reduce_sum3A_2, %gt3A_3 : vector<10112xf32>
    %rsqrt3A = math.rsqrt %reduce_sum3A_2 : vector<10112xf32>
    %jit3A = arith.constant 0.000000e+00 : f32
    %broadcast_in_dim3A = vector.broadcast %jit3A : f32 to vector<10112xf32>
    %select_n3A = arith.select %gt3A_4, %rsqrt3A, %broadcast_in_dim3A : vector<10112xi1>, vector<10112xf32>
    %get3A_5 = arith.constant 0 : index
    %get3A_6 = arith.constant 0 : index
    %get3A_7 = vector.load %arg0[%get3A_5, %get3A_6] : memref<10000x128xf32, #tpu.memory_space<vmem>>, vector<10000x128xf32>
    %get3A_8 = arith.constant 0 : index
    %get3A_9 = arith.constant 0 : index
    %get3A_10 = vector.load %arg1[%get3A_8, %get3A_9] : memref<128x16xf32, #tpu.memory_space<vmem>>, vector<128x16xf32>
    %dot_general3A = arith.constant dense<0.000000e+00> : vector<10000x16xf32>
    %dot_general3A_11 = tpu.matmul %get3A_7, %get3A_10, %dot_general3A {dimension_numbers = #tpu.dot_dimension_numbers<[1], [0], [0], [1], [0, 0, 1, 1], [], []>, transpose_lhs_hint = false} : vector<10000x128xf32>, vector<128x16xf32>, vector<10000x16xf32> -> vector<10000x16xf32>
    %swap3A = arith.constant 0 : index
    %swap3A_12 = arith.constant 0 : index
    %swap3A_13 = vector.load %arg4[%swap3A, %swap3A_12] : memref<10000x16xf32, #tpu.memory_space<vmem>>, vector<10000x16xf32>
    tpu.vector_store %arg4[%swap3A, %swap3A_12], %dot_general3A_11 {strides = array<i32>} : memref<10000x16xf32, #tpu.memory_space<vmem>>, vector<10000x16xf32>,
    %get3A_14 = arith.constant 0 : index
    %get3A_15 = arith.constant 0 : index
    %get3A_16 = vector.load %arg2[%get3A_14, %get3A_15] : memref<128x16xf32, #tpu.memory_space<vmem>>, vector<128x16xf32>
    %dot_general3A_17 = arith.constant dense<0.000000e+00> : vector<10000x16xf32>
    %dot_general3A_18 = tpu.matmul %get3A_7, %get3A_16, %dot_general3A_17 {dimension_numbers = #tpu.dot_dimension_numbers<[1], [0], [0], [1], [0, 0, 1, 1], [], []>, transpose_lhs_hint = false} : vector<10000x128xf32>, vector<128x16xf32>, vector<10000x16xf32> -> vector<10000x16xf32>
    %slice3A = vector.extract_strided_slice %select_n3A {offsets = [0], sizes = [10000], strides = [1]} : vector<10112xf32> to vector<10000xf32>
    %broadcast_in_dim3A_19 = vector.shape_cast %slice3A : vector<10000xf32> to vector<10000x1xf32>
    %mul3A = vector.broadcast %broadcast_in_dim3A_19 : vector<10000x1xf32> to vector<10000x16xf32>
    %mul3A_20 = arith.mulf %dot_general3A_18, %mul3A : vector<10000x16xf32>
    %broadcast_in_dim3A_21 = arith.constant 0.000000e+00 : f32
    %broadcast_in_dim3A_22 = vector.broadcast %broadcast_in_dim3A_21 : f32 to vector<112x16xf32>
    %concatenate3A = tpu.concatenate %mul3A_20, %broadcast_in_dim3A_22 in 0 : vector<10000x16xf32>, vector<112x16xf32> -> vector<10112x16xf32>
    %swap3A_23 = arith.constant 0 : index
    %swap3A_24 = arith.constant 0 : index
    %swap3A_25 = vector.load %arg5[%swap3A_23, %swap3A_24] : memref<10112x16xf32, #tpu.memory_space<vmem>>, vector<10112x16xf32>
    tpu.vector_store %arg5[%swap3A_23, %swap3A_24], %concatenate3A {strides = array<i32>} : memref<10112x16xf32, #tpu.memory_space<vmem>>, vector<10112x16xf32>,
    %swap3A_26 = arith.constant 0 : index
    %swap3A_27 = vector.load %arg6[%swap3A_26] : memref<10112xf32, #tpu.memory_space<vmem>>, vector<10112xf32>
    tpu.vector_store %arg6[%swap3A_26], %select_n3A {strides = array<i32>} : memref<10112xf32, #tpu.memory_space<vmem>>, vector<10112xf32>,
    return
  }
}

module attributes {stable_mosaic.version = 14 : i64} {
  func.func @_tc_b_body(%arg0: memref<2x10112x16xf32, #tpu.memory_space<vmem>>, %arg1: memref<10000x16xf32, #tpu.memory_space<vmem>>, %arg2: memref<10112xf32, #tpu.memory_space<vmem>>, %arg3: memref<1x16xf32, #tpu.memory_space<vmem>>, %arg4: memref<16x16xf32, #tpu.memory_space<vmem>>, %arg5: memref<1x16xf32, #tpu.memory_space<vmem>>, %arg6: memref<10000x16xf32, #tpu.memory_space<vmem>>) attributes {dimension_semantics = [], scalar_prefetch = 0 : i64, scratch_operands = 0 : i64, tpu.core_type = #tpu.core_type<tc>} {
    %get3A = arith.constant 0 : index
    %get3A_0 = arith.constant 0 : index
    %get3A_1 = arith.constant 0 : index
    %get3A_2 = vector.load %arg0[%get3A, %get3A_0, %get3A_1] : memref<2x10112x16xf32, #tpu.memory_space<vmem>>, vector<2x10112x16xf32>
    %slice3A = vector.extract_strided_slice %get3A_2 {offsets = [0, 0, 0], sizes = [1, 10000, 16], strides = [1, 1, 1]} : vector<2x10112x16xf32> to vector<1x10000x16xf32>
    %squeeze3A = vector.shape_cast %slice3A : vector<1x10000x16xf32> to vector<10000x16xf32>
    %slice3A_3 = vector.extract_strided_slice %get3A_2 {offsets = [1, 0, 0], sizes = [1, 10000, 16], strides = [1, 1, 1]} : vector<2x10112x16xf32> to vector<1x10000x16xf32>
    %squeeze3A_4 = vector.shape_cast %slice3A_3 : vector<1x10000x16xf32> to vector<10000x16xf32>
    %add3A = arith.addf %squeeze3A, %squeeze3A_4 : vector<10000x16xf32>
    %get3A_5 = arith.constant 0 : index
    %get3A_6 = vector.load %arg2[%get3A_5] : memref<10112xf32, #tpu.memory_space<vmem>>, vector<10112xf32>
    %get3A_7 = arith.constant 0 : index
    %get3A_8 = arith.constant 0 : index
    %get3A_9 = vector.load %arg1[%get3A_7, %get3A_8] : memref<10000x16xf32, #tpu.memory_space<vmem>>, vector<10000x16xf32>
    %slice3A_10 = vector.extract_strided_slice %get3A_6 {offsets = [0], sizes = [10000], strides = [1]} : vector<10112xf32> to vector<10000xf32>
    %broadcast_in_dim3A = vector.shape_cast %slice3A_10 : vector<10000xf32> to vector<10000x1xf32>
    %mul3A = vector.broadcast %broadcast_in_dim3A : vector<10000x1xf32> to vector<10000x16xf32>
    %mul3A_11 = arith.mulf %add3A, %mul3A : vector<10000x16xf32>
    %sub3A = arith.subf %get3A_9, %mul3A_11 : vector<10000x16xf32>
    %get3A_12 = arith.constant 0 : index
    %get3A_13 = arith.constant 0 : index
    %get3A_14 = vector.load %arg3[%get3A_12, %get3A_13] : memref<1x16xf32, #tpu.memory_space<vmem>>, vector<1x16xf32>
    %add3A_15 = vector.broadcast %get3A_14 : vector<1x16xf32> to vector<10000x16xf32>
    %add3A_16 = arith.addf %sub3A, %add3A_15 : vector<10000x16xf32>
    %max3A = arith.constant 0.000000e+00 : f32
    %max3A_17 = vector.broadcast %max3A : f32 to vector<10000x16xf32>
    %max3A_18 = arith.maximumf %add3A_16, %max3A_17 : vector<10000x16xf32>
    %get3A_19 = arith.constant 0 : index
    %get3A_20 = arith.constant 0 : index
    %get3A_21 = vector.load %arg4[%get3A_19, %get3A_20] : memref<16x16xf32, #tpu.memory_space<vmem>>, vector<16x16xf32>
    %dot_general3A = arith.constant dense<0.000000e+00> : vector<10000x16xf32>
    %dot_general3A_22 = tpu.matmul %max3A_18, %get3A_21, %dot_general3A {dimension_numbers = #tpu.dot_dimension_numbers<[1], [0], [0], [1], [0, 0, 1, 1], [], []>, transpose_lhs_hint = false} : vector<10000x16xf32>, vector<16x16xf32>, vector<10000x16xf32> -> vector<10000x16xf32>
    %get3A_23 = arith.constant 0 : index
    %get3A_24 = arith.constant 0 : index
    %get3A_25 = vector.load %arg5[%get3A_23, %get3A_24] : memref<1x16xf32, #tpu.memory_space<vmem>>, vector<1x16xf32>
    %add3A_26 = vector.broadcast %get3A_25 : vector<1x16xf32> to vector<10000x16xf32>
    %add3A_27 = arith.addf %dot_general3A_22, %add3A_26 : vector<10000x16xf32>
    %iota3A = tpu.iota {dimensions = array<i32: 1>} : vector<10000x16xi32>
    %lt3A = arith.constant 10 : i32
    %lt3A_28 = vector.broadcast %lt3A : i32 to vector<10000x16xi32>
    %lt3A_29 = arith.cmpi slt, %iota3A, %lt3A_28 : vector<10000x16xi32>
    %jit3A = arith.constant 0xFF800000 : f32
    %broadcast_in_dim3A_30 = vector.broadcast %jit3A : f32 to vector<10000x16xf32>
    %select_n3A = arith.select %lt3A_29, %add3A_27, %broadcast_in_dim3A_30 : vector<10000x16xi1>, vector<10000x16xf32>
    %reduce_max3A = arith.constant dense<0xFF800000> : vector<10000xf32>
    %reduce_max3A_31 = vector.multi_reduction <maximumf>, %select_n3A, %reduce_max3A [1] : vector<10000x16xf32> to vector<10000xf32>
    %broadcast_in_dim3A_32 = vector.shape_cast %reduce_max3A_31 : vector<10000xf32> to vector<10000x1xf32>
    %sub3A_33 = vector.broadcast %broadcast_in_dim3A_32 : vector<10000x1xf32> to vector<10000x16xf32>
    %sub3A_34 = arith.subf %select_n3A, %sub3A_33 : vector<10000x16xf32>
    %exp3A = math.exp %sub3A_34 : vector<10000x16xf32>
    %reduce_sum3A = arith.constant dense<0.000000e+00> : vector<10000xf32>
    %reduce_sum3A_35 = vector.multi_reduction <add>, %exp3A, %reduce_sum3A [1] : vector<10000x16xf32> to vector<10000xf32>
    %broadcast_in_dim3A_36 = vector.shape_cast %reduce_sum3A_35 : vector<10000xf32> to vector<10000x1xf32>
    %sub3A_37 = vector.broadcast %broadcast_in_dim3A_32 : vector<10000x1xf32> to vector<10000x16xf32>
    %sub3A_38 = arith.subf %add3A_27, %sub3A_37 : vector<10000x16xf32>
    %log3A = math.log %broadcast_in_dim3A_36 : vector<10000x1xf32>
    %sub3A_39 = vector.broadcast %log3A : vector<10000x1xf32> to vector<10000x16xf32>
    %sub3A_40 = arith.subf %sub3A_38, %sub3A_39 : vector<10000x16xf32>
    %swap3A = arith.constant 0 : index
    %swap3A_41 = arith.constant 0 : index
    %swap3A_42 = vector.load %arg6[%swap3A, %swap3A_41] : memref<10000x16xf32, #tpu.memory_space<vmem>>, vector<10000x16xf32>
    tpu.vector_store %arg6[%swap3A, %swap3A_41], %sub3A_40 {strides = array<i32>} : memref<10000x16xf32, #tpu.memory_space<vmem>>, vector<10000x16xf32>,
    return
  }
}

</mosaic_0001>

<sc_bundles>
// kernel: kernel.6.cloned.1.call-start
scs
__scs_entry_jumppad:
0x0: {  	(pc) =	sbr.rel $0x88, $3  }
0x1: {  	(tag) =	ssettag $0x0;
	lr =	simm.s32 $0x1  }
0x2: {  	[smem:$0x3F9A] =	sst lr;
	_ =	strace $0xD0000000  }
0x3: {  	_ = 	snop  }
0x4: {  	_ = 	snop  }
0x5: {  	_ = 	snop  }
0x6: {  	_ = 	snop  }
0x7: {  	_ = 	snop  }
__scs_overlays_trampoline_lowered:
0x8: {  	[smem:$0x3FA9] =	sst s0  }
0x9: {  	[smem:$0x3FAA] =	sst s1  }
0xa: {  	[smem:$0x3FAB] =	sst s2  }
0xb: {  	[smem:$0x3FAC] =	sst s3  }
0xc: {  	[smem:$0x3FAD] =	sst s4  }
0xd: {  	[smem:$0x3FAE] =	sst s5  }
0xe: {  	[smem:$0x3FAF] =	sst s6  }
0xf: {  	[smem:$0x3FB0] =	sst s7  }
0x10: {  	[smem:$0x3FB1] =	sst s8  }
0x11: {  	[smem:$0x3FB2] =	sst s9;
	s0 =	simm.s32 @!p0 $0x0  }
0x12: {  	s1 =	sld [smem:$0x3F98];
	s0 =	simm.s32 @p0 $0x1  }
0x13: {  	[smem:$0x3FB3] =	sst s0;
	s0 =	simm.s32 @!p1 $0x0  }
0x14: {  	s2 =	sld [smem:$0x3F97];
	s0 =	simm.s32 @p1 $0x1  }
0x15: {  	[smem:$0x3FB4] =	sst s0;
	s0 =	simm.s32 @!p2 $0x0  }
0x16: {  	s3 =	sld [smem:$0x3FDB];
	s0 =	simm.s32 @p2 $0x1  }
0x17: {  	s4 =	simm.s32 $0x1BF5;
	[smem:$0x3FB6] =	sst s0  }
0x18: {  	s0 =	sld [smem:$0x3F99];
	_ =	swait.ge [sflag:s4], $0x0  }
0x19: {  	s7 =	sld [smem:$0x3F9A]  }
0x1a: {  	s8 =	sadd.s32 $0xFFFFE003, lr  }
0x1b: {  	s9 =	sadd.s32 $0xFFFFFEF7, lr;
	s5 =	simm.s32 $0xFFFFFFFF;
	p2 =	slt.u32 s8, $0xFFFFF086  }
0x1c: {  	p1 =	slt.u32 s9, $0xF7A;
	s5 =	simm.s32 @!p2 $0x0  }
0x1d: {  	s5 =	simm.s32 @p1 $0x1;
	p0 =	seq.s32 s7, s2  }
0x1e: {  	s7 =	smul.u32 @!p0 $0xF7A, s2;
	p2 =	seq.s32 @!p0 s5, $0x0  }
0x1f: {  	s9 =	smul.u32 $0xF7A, s1;
	s8 =	simm.s32 @!p0 $0x1BF5;
	p2 =	por !p2, p0  }
0x20: {  	[sflag:s8] =	ssyncset.s32 @!p0 $0xFFFFF086;
	s6 =	sadd.s32 @!p0 s3, s7;
	s7 =	simm.s32 @!p0 $0x108  }
0x21: {  	s3 =	sadd.s32 s3, s9;
	s6 =	sadd.s32 @!p0 $0x88, s6;
	s7 =	simm.s32 @p2 $0x1082  }
0x22: {  	[simem:s7], [sflag:s8] =	dma.local @!p0 [hbm:s6], $0xF7A  }
0x23: {  	s9 =	sor.u32 $0xD0000000, s2;
	s6 =	simm.s32 $0x108;
	_ =	swait.ge @!p0 [sflag:s8], $0x0  }
0x24: {  	s3 =	sadd.s32 $0x88, s3;
	s6 =	simm.s32 @!p1 $0x1082;
	[sflag:s4] =	ssyncset.s32 $0xFFFFF086  }
0x25: {  	[simem:s6], [sflag:s4] =	dma.local [hbm:s3], $0xF7A  }
0x26: {  	[smem:$0x3F9A] =	sst s1;
	(tag) =	ssettag s2;
	_ =	strace s9  }
0x27: {  	s1 =	sld [smem:$0x3FAA]  }
0x28: {  	s2 =	sld [smem:$0x3FAB]  }
0x29: {  	s4 =	sld [smem:$0x3FAD]  }
0x2a: {  	p0 =	seq.s32 s5, $0x0;
	s5 =	sld [smem:$0x3FAE]  }
0x2b: {  	s6 =	sld [smem:$0x3FAF]  }
0x2c: {  	s7 =	sld [smem:$0x3FB0]  }
0x2d: {  	s3 =	simm.s32 $0x108;
	s8 =	sld [smem:$0x3FB1]  }
0x2e: {  	s3 =	simm.s32 @!p0 $0x1082;
	s9 =	sld [smem:$0x3FB2]  }
0x2f: {  	lr =	sadd.s32 s0, s3;
	s0 =	sld [smem:$0x3FA9]  }
0x30: {  	s3 =	sld [smem:$0x3FAC]  }
0x31: {  	[smem:$0x3FB5] =	sst s10  }
0x32: {  	s10 =	sld [smem:$0x3FB3];
	_ =	sdelay $0x3  }
0x33: {  	p0 =	seq.s32 s10, $0x1;
	s10 =	sld [smem:$0x3FB5];
	_ =	sdelay $0x3  }
0x34: {  	[smem:$0x3FB5] =	sst s10  }
0x35: {  	s10 =	sld [smem:$0x3FB4];
	_ =	sdelay $0x3  }
0x36: {  	p1 =	seq.s32 s10, $0x1;
	s10 =	sld [smem:$0x3FB5];
	_ =	sdelay $0x3  }
0x37: {  	[smem:$0x3FB5] =	sst s10  }
0x38: {  	s10 =	sld [smem:$0x3FB6]  }
0x39: {  	_ = 	snop;
	(pc) =	sbr.ind lr, $3  }
0x3a: {  	_ = 	snop  }
0x3b: {  	_ = 	snop  }
0x3c: {  	p2 =	seq.s32 s10, $0x1;
	s10 =	sld [smem:$0x3FB5]  }
0x3d: {  	_ =	shalt  }
0x3e: {  	_ =	shalt  }
0x3f: {  	_ =	shalt  }
0x40: {  	_ =	shalt  }
0x41: {  	_ =	shalt  }
0x42: {  	_ =	shalt  }
0x43: {  	_ =	shalt  }
0x44: {  	_ =	shalt  }
0x45: {  	_ =	shalt  }
0x46: {  	_ =	shalt  }
0x47: {  	_ =	shalt  }
0x48: {  	_ =	shalt  }
0x49: {  	_ =	shalt  }
0x4a: {  	_ =	shalt  }
0x4b: {  	_ =	shalt  }
0x4c: {  	_ =	shalt  }
0x4d: {  	_ =	shalt  }
0x4e: {  	_ =	shalt  }
0x4f: {  	_ =	shalt  }
0x50: {  	_ =	shalt  }
0x51: {  	_ =	shalt  }
0x52: {  	_ =	shalt  }
0x53: {  	_ =	shalt  }
0x54: {  	_ =	shalt  }
0x55: {  	_ =	shalt  }
0x56: {  	_ =	shalt  }
0x57: {  	_ =	shalt  }
0x58: {  	_ =	shalt  }
0x59: {  	_ =	shalt  }
0x5a: {  	_ =	shalt  }
0x5b: {  	_ =	shalt  }
0x5c: {  	_ =	shalt  }
0x5d: {  	_ =	shalt  }
0x5e: {  	_ =	shalt  }
0x5f: {  	_ =	shalt  }
0x60: {  	_ =	shalt  }
0x61: {  	_ =	shalt  }
0x62: {  	_ =	shalt  }
0x63: {  	_ =	shalt  }
0x64: {  	_ =	shalt  }
0x65: {  	_ =	shalt  }
0x66: {  	_ =	shalt  }
0x67: {  	_ =	shalt  }
0x68: {  	_ =	shalt  }
0x69: {  	_ =	shalt  }
0x6a: {  	_ =	shalt  }
0x6b: {  	_ =	shalt  }
0x6c: {  	_ =	shalt  }
0x6d: {  	_ =	shalt  }
0x6e: {  	_ =	shalt  }
0x6f: {  	_ =	shalt  }
0x70: {  	_ =	shalt  }
0x71: {  	_ =	shalt  }
0x72: {  	_ =	shalt  }
0x73: {  	_ =	shalt  }
0x74: {  	_ =	shalt  }
0x75: {  	_ =	shalt  }
0x76: {  	_ =	shalt  }
0x77: {  	_ =	shalt  }
0x78: {  	_ =	shalt  }
0x79: {  	_ =	shalt  }
0x7a: {  	_ =	shalt  }
0x7b: {  	_ =	shalt  }
0x7c: {  	_ =	shalt  }
0x7d: {  	_ =	shalt  }
0x7e: {  	_ =	shalt  }
0x7f: {  	_ =	shalt  }
0x80: {  	_ =	shalt  }
0x81: {  	_ =	shalt  }
0x82: {  	_ =	shalt  }
0x83: {  	_ =	shalt  }
0x84: {  	_ =	shalt  }
0x85: {  	_ =	shalt  }
0x86: {  	_ =	shalt  }
0x87: {  	_ =	shalt  }
.Lfunc_end0:
.L_simem_size_0:
called_computation_lowered:
.L_overlay_start_0:
0x88: {  	s2 =	sld [smem:$0x3FD9]  }
0x89: {  	s3 =	sld [smem:$0x3FFE];
	_ =	sdelay $0x1  }
0x8a: {  	s1 =	srdreg.scid  }
0x8b: {  	s0 =	sand.u32 $0x1, s1  }
0x8c: {  	s16 =	sshll.u32 s0, $0xA;
	s2 =	sadd.s32 s3, s2  }
0x8d: {  	s2 =	sadd.s32 s2, s16  }
0x8e: {  	[smem:$0x3FC1] =	sst s2  }
0x8f: {  	_ = 	snop  }
0x90: {  	(tm) =	ssettm $0x1  }
0x91: {  	s17 =	sld [smem:$0x3FFB];
	_ =	sdelay $0x3  }
0x92: {  	_ =	strace s17  }
0x93: {  	s2 =	sld [smem:$0x3FFC];
	_ =	sdelay $0x3  }
0x94: {  	_ =	strace s2  }
0x95: {  	s2 =	sld [smem:$0x3FFD];
	_ =	sdelay $0x3  }
0x96: {  	_ =	strace s2  }
0x97: {  	_ =	strace $0x8FFFFFFF  }
0x98: {  	s18 =	sld [smem:$0x3FDB];
	_ =	sdelay $0x1  }
0x99: {  	s19 =	simm.s32 $_scs_section_size  }
0x9a: {  	s4 =	simm.s32 $_size__tile_overlayer_lowered;
	s5 =	simm.s32 $_tile_overlayer_lowered  }
0x9b: {  	s22 =	simm.s32 $0x1BFF;
	s21 =	sshll.u32 s5, $0x1;
	s2 =	sadd.s32 s19, s18  }
0x9c: {  	s6 =	simm.s32 $0x0;
	s20 =	sshll.u32 s4, $0x1;
	s4 =	sadd.s32 s21, s2  }
0x9d: {  	[timem:s6], [sflag:s22] =	dma.local [hbm:s4], s20  }
0x9e: {  	_ =	swait.ge [sflag:s22], s20  }
0x9f: {  	s3 =	ssub.s32 $0x0, s20;
	[sflag:s22] =	ssyncset.done $0x0  }
0xa0: {  	[sflag:s22] =	ssyncadd.s32 s3;
	_ =	sdelay $0x1  }
0xa1: {  	s23 =	simm.s32 $0x1B8B  }
0xa2: {  	_ =	swait.ge [sflag:s23], $0x1  }
0xa3: {  	[sflag:s23] =	ssyncset.done $0x0  }
0xa4: {  	s25 =	simm.s32 $0x1B8E;
	s24 =	sld [smem:$0x3FFE];
	[sflag:s23] =	ssyncadd.s32 $0xFFFFFFFF  }
0xa5: {  	s26 =	simm.s32 $execute0_lowered;
	[smem:$0x3FD2] =	sst s25  }
0xa6: {  	s4 =	sshll.u32 s26, $0x1;
	_ =	strace $0x80000046;
	[dreg:$0x1] =	wrdreg $0xFFFFFFFF  }
0xa7: {  	s28 =	simm.s32 $_size_execute0_lowered;
	s2 =	sadd.s32 s2, s4;
	[dreg:$0x0] =	wrdreg $0x0  }
0xa8: {  	s4 =	sshll.u32 s28, $0x1;
	[dreg:$0x2] =	wrdreg s2  }
0xa9: {  	[dreg:$0x3] =	wrdreg s4  }
0xaa: {  	[dreg:$0x4] =	wrdreg $0xC0  }
0xab: {  	_ =	task [dreg:s6], $0x5FFFF  }
0xac: {  	[dreg:$0x1] =	wrdreg $0xFFFFFFFF  }
0xad: {  	[dreg:$0x0] =	wrdreg $0x60  }
0xae: {  	[dreg:$0x2] =	wrdreg s24  }
0xaf: {  	[dreg:$0x3] =	wrdreg $0x9  }
0xb0: {  	_ =	task.clear_ibuf [dreg:s6], $0x4FFFF;
	_ =	strace $0x90000046  }
0xb1: {  	s29 =	simm.s32 $0x9;
	_ =	strace $0x80000048  }
0xb2: {  	_ =	swait.ge [sflag:s29], $0x1  }
0xb3: {  	[sflag:s29] =	ssyncadd.s32 $0xFFFFFFFF  }
0xb4: {  	_ =	strace $0x90000048  }
0xb5: {  	_ =	sfence  }
0xb6: {  	s30 =	sld [smem:$0x0];
	_ =	sdelay $0x2  }
0xb7: {  	s31 =	sshll.u32 s1, $0xD;
	s1 =	sshrl.u32 s1, $0x2  }
0xb8: {  	s3 =	sand.u32 $0x4000, s31;
	s1 =	sadd.s32 s1, s30  }
0xb9: {  	s0 =	sor.u32 s3, s0;
	s1 =	sshll.u32 s1, $0x11  }
0xba: {  	s0 =	sor.u32 s1, s0  }
0xbb: {  	s0 =	sadd.s32 $0x8F2B, s0  }
0xbc: {  	[sflag:s0] =	ssyncadd.remote.s32 $0x1  }
0xbd: {  	_ =	sfence.sel $0xFFFF  }
0xbe: {  	[dreg:$0x0] =	wrdreg $0xFFFFFFFF;
	(pc) =	sbr.abs _section_cstart, $3  }
0xbf: {  	[dreg:$0x1] =	wrdreg $0xFFFFFFFF  }
0xc0: {  	_ =	task.clear_ibuf [dreg:s6], $0x2FFFF;
	_ =	strace $0x9FFFFFFF  }
0xc1: {  	(tm) =	ssettm $0x7FFFFFFF  }
tec
execute0_lowered:
.L_overlay_start_1:
0x0: {  	(tag) =	ssettag $0x1  }
0x1: {  	s1 =	srdreg.scid  }
0x2: {  	s0 =	stileid.u32;
	s4 =	rddreg [dreg:$0x0];
	s8 =	simm.s32 $0x14000  }
0x3: {  	s9 =	simm.s32 $0x80;
	s10 =	simm.s32 $0x400;
	s11 =	simm.s32 $0x0  }
0x4: {  	s3 =	sand.u32 $0x1, s1;
	s2 =	sshll.u32 s0, $0x1;
	s1 =	rddreg [dreg:$0x1]  }
0x5: {  	s6 =	sshrl.u32 s0, $0x2;
	s5 =	sor.u32 s3, s2;
	s2 =	simm.s32 $0x0  }
0x6: {  	s6 =	smul.u32 $0x13C00, s6;
	s30 =	ssub.s32 $0x2, s3;
	s7 =	sshll.u32 s5, $0x7  }
0x7: {  	s3 =	sadd.s32 $0x65C00, s4;
	s5 =	smul.u32 $0x2800, s5;
	s7 =	sand.u32 $0x380, s7  }
0x8: {  	[smem:$0x7FF] =	sst s2;
	s31 =	sshrl.u32 s30, $0x1;
	s6 =	sor.u32 s6, s7  }
0x9: {  	_ =	strace $0x80000047;
	s5 =	sadd.s32 s5, s4;
	s6 =	sshrl.u32 s6, $0x3  }
0xa: {  	s7 =	ssub.s32 s30, s31;
	s6 =	sadd.s32 s6, s4;
	s4 =	sadd.s32 $0x15C00, s5  }
0xb: {  	v0 =	vimm.f32 $1.000000000e+00;
	s5 =	sadd.s32 $0x66200, s6;
	s6 =	smax.u32 s7, $0x1;
	s7 =	simm.s32 $0x1  }
.LBB2_1:
0xc: {  	[tilespmem:s2], [sflag:$0x1] =	stream.linear.gather [hbm4b:s4+s2], $0x14000, $0x38;
	[tilespmem:$0x16780] =	vst v63  }
0xd: {  	_ =	swait.ge [sflag:s7], $0x14000  }
0xe: {  	[sflag:s7] =	ssyncset.done $0x0  }
0xf: {  	[sflag:s7] =	ssyncadd.s32 $0xFFFEC000  }
0x10: {  	[tilespmem:s8], [sflag:$0x1] =	stream.linear.gather [hbm4b:s3+s2], $0x2780, $0x38;
	[tilespmem:$0x16780] =	vst v63  }
0x11: {  	_ =	swait.ge [sflag:s7], $0x2780  }
0x12: {  	[sflag:s7] =	ssyncset.done $0x0  }
0x13: {  	s12 =	simm.s32 $0xFFFFFFF8;
	s13 =	simm.s32 $0x200;
	[sflag:s7] =	ssyncadd.s32 $0xFFFFD880  }
.LBB2_2:
0x14: {  	v1 =	vld [tilespmem:s13+$0xFFFFFE00];
	_ =	sdelay $0x7  }
0x15: {  	[tilespmem:v1+s8+$0x0] =	vst.idx.add.f32.msk $0xffff, v0  }
0x16: {  	v1 =	vld [tilespmem:s13+$0xFFFFFE80];
	_ =	sdelay $0x7  }
0x17: {  	[tilespmem:v1+s8+$0x0] =	vst.idx.add.f32.msk $0xffff, v0  }
0x18: {  	v1 =	vld [tilespmem:s13+$0xFFFFFF00];
	_ =	sdelay $0x7  }
0x19: {  	[tilespmem:v1+s8+$0x0] =	vst.idx.add.f32.msk $0xffff, v0  }
0x1a: {  	v1 =	vld [tilespmem:s13+$0xFFFFFF80];
	_ =	sdelay $0x7  }
0x1b: {  	[tilespmem:v1+s8+$0x0] =	vst.idx.add.f32.msk $0xffff, v0  }
0x1c: {  	v1 =	vld [tilespmem:s13+$0x0];
	_ =	sdelay $0x7  }
0x1d: {  	[tilespmem:v1+s8+$0x0] =	vst.idx.add.f32.msk $0xffff, v0  }
0x1e: {  	v1 =	vld [tilespmem:s13+$0x80];
	_ =	sdelay $0x7  }
0x1f: {  	[tilespmem:v1+s8+$0x0] =	vst.idx.add.f32.msk $0xffff, v0  }
0x20: {  	v1 =	vld [tilespmem:s13+$0x100];
	_ =	sdelay $0x7  }
0x21: {  	[tilespmem:v1+s8+$0x0] =	vst.idx.add.f32.msk $0xffff, v0  }
0x22: {  	v1 =	vld [tilespmem:s13+$0x180];
	_ =	sdelay $0x1  }
0x23: {  	s12 =	sadd.s32 $0x8, s12  }
0x24: {  	p0 =	slt.u32 s12, $0x278  }
.Ltmp0:
0x25: {  	_ = 	snop;
	(pc) =	sbr.rel @p0 .LBB2_2-.Ltmp0, $2  }
0x26: {  	_ =	sdelay $0x2  }
0x27: {  	s13 =	sadd.s32 $0x400, s13;
	[tilespmem:v1+s8+$0x0] =	vst.idx.add.f32.msk $0xffff, v0  }
0x28: {  	s11 =	sadd.s32 $0x1, s11  }
0x29: {  	p0 =	sne.s32 s11, s6  }
.Ltmp1:
0x2a: {  	_ = 	snop;
	(pc) =	sbr.rel @p0 .LBB2_1-.Ltmp1, $4  }
0x2b: {  	[hbm4b:s5+s9] =	stream.strided.scatter [tilespmem:s8], [sflag:$0x1], $0x2780, s10, s9, $0x38;
	[tilespmem:$0x16780] =	vst v63  }
0x2c: {  	_ =	swait.ge [sflag:s7], $0x2780  }
0x2d: {  	[sflag:s7] =	ssyncset.done $0x0  }
0x2e: {  	[sflag:s7] =	ssyncadd.s32 $0xFFFFD880  }
0x2f: {  	_ =	sfence.sel $0x180000  }
0x30: {  	[bflag:$0x0] =	sbarrier.arrive $0xFFFF  }
0x31: {  	p0 =	sne.s32 s0, $0x0;
	_ =	strace $0x90000047  }
0x32: {  	s0 =	sadd.s32 @!p0 $0x100000, s1;
	[bflag:$0x2] =	sbarrier.arrive $0xFFFF  }
0x33: {  	[sflag:s0] =	ssyncadd.tile.s32 @!p0 $0x1;
	_ =	shalt  }
.Lfunc_end2:
_tile_overlayer_lowered:
.L_overlay_start_2:
0x34: {  	(tag) =	ssettag $0x2  }
0x35: {  	s0 =	rddreg [dreg:$0x0];
	s2 =	stileid.u32  }
0x36: {  	s1 =	rddreg [dreg:$0x1];
	p0 =	sne.s32 s2, $0x0  }
0x37: {  	s3 =	rddreg [dreg:$0x2];
	[bflag:$0x3] =	sbarrier.arrive $0xFFFF;
	s2 =	simm.s32 @!p0 $0x1C01  }
0x38: {  	[timem:s3], [sflag:s2] =	dma.local @!p0 [hbm:s0], s1  }
0x39: {  	s0 =	simm.s32 @!p0 $0x1  }
0x3a: {  	_ =	swait.ge @!p0 [sflag:s0], s1  }
0x3b: {  	s1 =	ssub.s32 @!p0 $0x0, s1;
	[sflag:s0] =	ssyncset.done @!p0 $0x0  }
0x3c: {  	[sflag:s0] =	ssyncadd.s32 @!p0 s1  }
0x3d: {  	[bflag:$0x3] =	sbarrier.arrive $0xFFFF  }
0x3e: {  	_ =	shalt  }

// kernel: kernel.9.cloned.1.call-start
scs
__scs_entry_jumppad:
0x0: {  	(pc) =	sbr.rel $0x88, $3  }
0x1: {  	(tag) =	ssettag $0x0;
	lr =	simm.s32 $0x1  }
0x2: {  	[smem:$0x3F9A] =	sst lr;
	_ =	strace $0xD0000000  }
0x3: {  	_ = 	snop  }
0x4: {  	_ = 	snop  }
0x5: {  	_ = 	snop  }
0x6: {  	_ = 	snop  }
0x7: {  	_ = 	snop  }
__scs_overlays_trampoline_lowered:
0x8: {  	[smem:$0x3FA9] =	sst s0  }
0x9: {  	[smem:$0x3FAA] =	sst s1  }
0xa: {  	[smem:$0x3FAB] =	sst s2  }
0xb: {  	[smem:$0x3FAC] =	sst s3  }
0xc: {  	[smem:$0x3FAD] =	sst s4  }
0xd: {  	[smem:$0x3FAE] =	sst s5  }
0xe: {  	[smem:$0x3FAF] =	sst s6  }
0xf: {  	[smem:$0x3FB0] =	sst s7  }
0x10: {  	[smem:$0x3FB1] =	sst s8  }
0x11: {  	[smem:$0x3FB2] =	sst s9;
	s0 =	simm.s32 @!p0 $0x0  }
0x12: {  	s1 =	sld [smem:$0x3F98];
	s0 =	simm.s32 @p0 $0x1  }
0x13: {  	[smem:$0x3FB3] =	sst s0;
	s0 =	simm.s32 @!p1 $0x0  }
0x14: {  	s2 =	sld [smem:$0x3F97];
	s0 =	simm.s32 @p1 $0x1  }
0x15: {  	[smem:$0x3FB4] =	sst s0;
	s0 =	simm.s32 @!p2 $0x0  }
0x16: {  	s3 =	sld [smem:$0x3FDB];
	s0 =	simm.s32 @p2 $0x1  }
0x17: {  	s4 =	simm.s32 $0x1BF5;
	[smem:$0x3FB6] =	sst s0  }
0x18: {  	s0 =	sld [smem:$0x3F99];
	_ =	swait.ge [sflag:s4], $0x0  }
0x19: {  	s7 =	sld [smem:$0x3F9A]  }
0x1a: {  	s8 =	sadd.s32 $0xFFFFE003, lr  }
0x1b: {  	s9 =	sadd.s32 $0xFFFFFEF7, lr;
	s5 =	simm.s32 $0xFFFFFFFF;
	p2 =	slt.u32 s8, $0xFFFFF086  }
0x1c: {  	p1 =	slt.u32 s9, $0xF7A;
	s5 =	simm.s32 @!p2 $0x0  }
0x1d: {  	s5 =	simm.s32 @p1 $0x1;
	p0 =	seq.s32 s7, s2  }
0x1e: {  	s7 =	smul.u32 @!p0 $0xF7A, s2;
	p2 =	seq.s32 @!p0 s5, $0x0  }
0x1f: {  	s9 =	smul.u32 $0xF7A, s1;
	s8 =	simm.s32 @!p0 $0x1BF5;
	p2 =	por !p2, p0  }
0x20: {  	[sflag:s8] =	ssyncset.s32 @!p0 $0xFFFFF086;
	s6 =	sadd.s32 @!p0 s3, s7;
	s7 =	simm.s32 @!p0 $0x108  }
0x21: {  	s3 =	sadd.s32 s3, s9;
	s6 =	sadd.s32 @!p0 $0x88, s6;
	s7 =	simm.s32 @p2 $0x1082  }
0x22: {  	[simem:s7], [sflag:s8] =	dma.local @!p0 [hbm:s6], $0xF7A  }
0x23: {  	s9 =	sor.u32 $0xD0000000, s2;
	s6 =	simm.s32 $0x108;
	_ =	swait.ge @!p0 [sflag:s8], $0x0  }
0x24: {  	s3 =	sadd.s32 $0x88, s3;
	s6 =	simm.s32 @!p1 $0x1082;
	[sflag:s4] =	ssyncset.s32 $0xFFFFF086  }
0x25: {  	[simem:s6], [sflag:s4] =	dma.local [hbm:s3], $0xF7A  }
0x26: {  	[smem:$0x3F9A] =	sst s1;
	(tag) =	ssettag s2;
	_ =	strace s9  }
0x27: {  	s1 =	sld [smem:$0x3FAA]  }
0x28: {  	s2 =	sld [smem:$0x3FAB]  }
0x29: {  	s4 =	sld [smem:$0x3FAD]  }
0x2a: {  	p0 =	seq.s32 s5, $0x0;
	s5 =	sld [smem:$0x3FAE]  }
0x2b: {  	s6 =	sld [smem:$0x3FAF]  }
0x2c: {  	s7 =	sld [smem:$0x3FB0]  }
0x2d: {  	s3 =	simm.s32 $0x108;
	s8 =	sld [smem:$0x3FB1]  }
0x2e: {  	s3 =	simm.s32 @!p0 $0x1082;
	s9 =	sld [smem:$0x3FB2]  }
0x2f: {  	lr =	sadd.s32 s0, s3;
	s0 =	sld [smem:$0x3FA9]  }
0x30: {  	s3 =	sld [smem:$0x3FAC]  }
0x31: {  	[smem:$0x3FB5] =	sst s10  }
0x32: {  	s10 =	sld [smem:$0x3FB3];
	_ =	sdelay $0x3  }
0x33: {  	p0 =	seq.s32 s10, $0x1;
	s10 =	sld [smem:$0x3FB5];
	_ =	sdelay $0x3  }
0x34: {  	[smem:$0x3FB5] =	sst s10  }
0x35: {  	s10 =	sld [smem:$0x3FB4];
	_ =	sdelay $0x3  }
0x36: {  	p1 =	seq.s32 s10, $0x1;
	s10 =	sld [smem:$0x3FB5];
	_ =	sdelay $0x3  }
0x37: {  	[smem:$0x3FB5] =	sst s10  }
0x38: {  	s10 =	sld [smem:$0x3FB6]  }
0x39: {  	_ = 	snop;
	(pc) =	sbr.ind lr, $3  }
0x3a: {  	_ = 	snop  }
0x3b: {  	_ = 	snop  }
0x3c: {  	p2 =	seq.s32 s10, $0x1;
	s10 =	sld [smem:$0x3FB5]  }
0x3d: {  	_ =	shalt  }
0x3e: {  	_ =	shalt  }
0x3f: {  	_ =	shalt  }
0x40: {  	_ =	shalt  }
0x41: {  	_ =	shalt  }
0x42: {  	_ =	shalt  }
0x43: {  	_ =	shalt  }
0x44: {  	_ =	shalt  }
0x45: {  	_ =	shalt  }
0x46: {  	_ =	shalt  }
0x47: {  	_ =	shalt  }
0x48: {  	_ =	shalt  }
0x49: {  	_ =	shalt  }
0x4a: {  	_ =	shalt  }
0x4b: {  	_ =	shalt  }
0x4c: {  	_ =	shalt  }
0x4d: {  	_ =	shalt  }
0x4e: {  	_ =	shalt  }
0x4f: {  	_ =	shalt  }
0x50: {  	_ =	shalt  }
0x51: {  	_ =	shalt  }
0x52: {  	_ =	shalt  }
0x53: {  	_ =	shalt  }
0x54: {  	_ =	shalt  }
0x55: {  	_ =	shalt  }
0x56: {  	_ =	shalt  }
0x57: {  	_ =	shalt  }
0x58: {  	_ =	shalt  }
0x59: {  	_ =	shalt  }
0x5a: {  	_ =	shalt  }
0x5b: {  	_ =	shalt  }
0x5c: {  	_ =	shalt  }
0x5d: {  	_ =	shalt  }
0x5e: {  	_ =	shalt  }
0x5f: {  	_ =	shalt  }
0x60: {  	_ =	shalt  }
0x61: {  	_ =	shalt  }
0x62: {  	_ =	shalt  }
0x63: {  	_ =	shalt  }
0x64: {  	_ =	shalt  }
0x65: {  	_ =	shalt  }
0x66: {  	_ =	shalt  }
0x67: {  	_ =	shalt  }
0x68: {  	_ =	shalt  }
0x69: {  	_ =	shalt  }
0x6a: {  	_ =	shalt  }
0x6b: {  	_ =	shalt  }
0x6c: {  	_ =	shalt  }
0x6d: {  	_ =	shalt  }
0x6e: {  	_ =	shalt  }
0x6f: {  	_ =	shalt  }
0x70: {  	_ =	shalt  }
0x71: {  	_ =	shalt  }
0x72: {  	_ =	shalt  }
0x73: {  	_ =	shalt  }
0x74: {  	_ =	shalt  }
0x75: {  	_ =	shalt  }
0x76: {  	_ =	shalt  }
0x77: {  	_ =	shalt  }
0x78: {  	_ =	shalt  }
0x79: {  	_ =	shalt  }
0x7a: {  	_ =	shalt  }
0x7b: {  	_ =	shalt  }
0x7c: {  	_ =	shalt  }
0x7d: {  	_ =	shalt  }
0x7e: {  	_ =	shalt  }
0x7f: {  	_ =	shalt  }
0x80: {  	_ =	shalt  }
0x81: {  	_ =	shalt  }
0x82: {  	_ =	shalt  }
0x83: {  	_ =	shalt  }
0x84: {  	_ =	shalt  }
0x85: {  	_ =	shalt  }
0x86: {  	_ =	shalt  }
0x87: {  	_ =	shalt  }
.Lfunc_end0:
.L_simem_size_0:
called_computation.1_lowered:
.L_overlay_start_0:
0x88: {  	s2 =	sld [smem:$0x3FD9]  }
0x89: {  	s3 =	sld [smem:$0x3FFE];
	_ =	sdelay $0x1  }
0x8a: {  	s1 =	srdreg.scid  }
0x8b: {  	s0 =	sand.u32 $0x1, s1  }
0x8c: {  	s17 =	sshll.u32 s0, $0xA;
	s2 =	sadd.s32 s3, s2  }
0x8d: {  	s2 =	sadd.s32 s2, s17  }
0x8e: {  	[smem:$0x3FC1] =	sst s2  }
0x8f: {  	_ = 	snop  }
0x90: {  	s2 =	sld [smem:$0x3FD0];
	(tm) =	ssettm $0x1  }
0x91: {  	s18 =	sld [smem:$0x3FFB];
	_ =	sdelay $0x3  }
0x92: {  	_ =	strace s18  }
0x93: {  	s3 =	sld [smem:$0x3FFC];
	_ =	sdelay $0x3  }
0x94: {  	_ =	strace s3  }
0x95: {  	s3 =	sld [smem:$0x3FFD];
	_ =	sdelay $0x3  }
0x96: {  	_ =	strace s3  }
0x97: {  	_ =	strace $0x8FFFFFFF  }
0x98: {  	s19 =	sld [smem:$0x3FDB];
	_ =	sdelay $0x1  }
0x99: {  	s4 =	simm.s32 $_scs_section_size  }
0x9a: {  	s5 =	simm.s32 $_size__tile_overlayer_lowered;
	s6 =	simm.s32 $_tile_overlayer_lowered  }
0x9b: {  	s22 =	simm.s32 $0x1BFF;
	s21 =	sshll.u32 s6, $0x1;
	s3 =	sadd.s32 s4, s19  }
0x9c: {  	s7 =	simm.s32 $0x0;
	s20 =	sshll.u32 s5, $0x1;
	s5 =	sadd.s32 s21, s3  }
0x9d: {  	[timem:s7], [sflag:s22] =	dma.local [hbm:s5], s20  }
0x9e: {  	_ =	swait.ge [sflag:s22], s20  }
0x9f: {  	s4 =	ssub.s32 $0x0, s20;
	[sflag:s22] =	ssyncset.done $0x0  }
0xa0: {  	[sflag:s22] =	ssyncadd.s32 s4;
	_ =	sdelay $0x1  }
0xa1: {  	s23 =	simm.s32 $0x1B8B  }
0xa2: {  	_ =	swait.ge [sflag:s23], $0x1  }
0xa3: {  	[sflag:s23] =	ssyncset.done $0x0  }
0xa4: {  	s25 =	simm.s32 $0x1B8E;
	s24 =	sld [smem:$0x3FFE];
	[sflag:s23] =	ssyncadd.s32 $0xFFFFFFFF  }
0xa5: {  	s26 =	simm.s32 $execute0_lowered;
	[smem:$0x3FD2] =	sst s25  }
0xa6: {  	s5 =	sshll.u32 s26, $0x1;
	_ =	strace $0x80000049;
	[dreg:$0x1] =	wrdreg $0xFFFFFFFF  }
0xa7: {  	s28 =	simm.s32 $_size_execute0_lowered;
	s3 =	sadd.s32 s3, s5;
	[dreg:$0x0] =	wrdreg $0x0  }
0xa8: {  	s5 =	sshll.u32 s28, $0x1;
	[dreg:$0x2] =	wrdreg s3  }
0xa9: {  	[dreg:$0x3] =	wrdreg s5  }
0xaa: {  	[dreg:$0x4] =	wrdreg $0xC0  }
0xab: {  	_ =	task [dreg:s7], $0x5FFFF  }
0xac: {  	[dreg:$0x1] =	wrdreg $0xFFFFFFFF  }
0xad: {  	[dreg:$0x0] =	wrdreg $0x60  }
0xae: {  	[dreg:$0x2] =	wrdreg s24  }
0xaf: {  	[dreg:$0x3] =	wrdreg s2  }
0xb0: {  	[dreg:$0x4] =	wrdreg $0x90000  }
0xb1: {  	[dreg:$0x5] =	wrdreg $0x9  }
0xb2: {  	_ =	task.clear_ibuf [dreg:s7], $0x6FFFF;
	_ =	strace $0x90000049  }
0xb3: {  	s29 =	simm.s32 $0x9;
	_ =	strace $0x8000004B  }
0xb4: {  	_ =	swait.ge [sflag:s29], $0x1  }
0xb5: {  	[sflag:s29] =	ssyncadd.s32 $0xFFFFFFFF  }
0xb6: {  	_ =	strace $0x9000004B  }
0xb7: {  	_ =	sfence  }
0xb8: {  	s30 =	sld [smem:$0x0];
	_ =	sdelay $0x2  }
0xb9: {  	s31 =	sshll.u32 s1, $0xD;
	s1 =	sshrl.u32 s1, $0x2  }
0xba: {  	s3 =	sand.u32 $0x4000, s31;
	s1 =	sadd.s32 s1, s30  }
0xbb: {  	s0 =	sor.u32 s3, s0;
	s1 =	sshll.u32 s1, $0x11  }
0xbc: {  	s0 =	sor.u32 s1, s0  }
0xbd: {  	s0 =	sadd.s32 $0x8F2B, s0  }
0xbe: {  	[sflag:s0] =	ssyncadd.remote.s32 $0x1  }
0xbf: {  	_ =	sfence.sel $0xFFFF  }
0xc0: {  	[dreg:$0x0] =	wrdreg $0xFFFFFFFF;
	(pc) =	sbr.abs _section_cstart, $3  }
0xc1: {  	[dreg:$0x1] =	wrdreg $0xFFFFFFFF  }
0xc2: {  	_ =	task.clear_ibuf [dreg:s7], $0x2FFFF;
	_ =	strace $0x9FFFFFFF  }
0xc3: {  	(tm) =	ssettm $0x7FFFFFFF  }
tec
execute0_lowered:
.L_overlay_start_1:
0x0: {  	(tag) =	ssettag $0x1  }
0x1: {  	s0 =	rddreg [dreg:$0x0]  }
0x2: {  	s2 =	rddreg [dreg:$0x1]  }
0x3: {  	s3 =	rddreg [dreg:$0x2]  }
0x4: {  	s1 =	srdreg.scid;
	s7 =	stileid.u32  }
0x5: {  	s8 =	simm.s32 $0x0;
	s13 =	simm.s32 $0x11;
	s14 =	simm.s32 $0x80  }
0x6: {  	s15 =	simm.s32 $0x5000;
	s16 =	simm.s32 $0x5800;
	s18 =	simm.s32 $0x6000  }
0x7: {  	s20 =	simm.s32 $0x6800;
	s29 =	simm.s32 $0x8800;
	s30 =	simm.s32 $0x1  }
0x8: {  	s31 =	simm.s32 $0x2;
	s11 =	simm.s32 $0x5;
	s17 =	simm.s32 $0x6  }
0x9: {  	s19 =	simm.s32 $0x7;
	s28 =	simm.s32 $0xB;
	s9 =	simm.s32 $0x10  }
0xa: {  	s1 =	sand.u32 $0x1, s1;
	s4 =	sshll.u32 s7, $0x1;
	s5 =	smul.u32 $0x2780, s7  }
0xb: {  	[smem:$0x7FF] =	sst s8;
	s21 =	sadd.s32 $0x65C00, s0;
	s26 =	sshll.u32 s7, $0x6  }
0xc: {  	s7 =	simm.s32 $0xE;
	s8 =	simm.s32 $0xF;
	s4 =	sor.u32 s1, s4  }
0xd: {  	s6 =	smul.u32 $0x27800, s1;
	_ =	strace $0x8000004A;
	s1 =	ssub.s32 $0x2, s1  }
0xe: {  	[dreg:$0x4] =	wrdreg s21;
	s12 =	sor.u32 $0x1C11, s26;
	s26 =	simm.s32 $0x8000  }
0xf: {  	s21 =	simm.s32 $0x8;
	s4 =	smul.u32 $0x500, s4;
	s22 =	sshrl.u32 s1, $0x1  }
0x10: {  	s24 =	sadd.s32 s5, s3;
	[dreg:$0xb] =	wrdreg s12;
	s6 =	sadd.s32 s5, s6  }
0x11: {  	s1 =	ssub.s32 s1, s22;
	s10 =	sshrl.u32 s24, $0x3;
	s22 =	simm.s32 $0x7000  }
0x12: {  	s24 =	simm.s32 $0x7800;
	s5 =	simm.s32 $0xC;
	s4 =	sadd.s32 s4, s0  }
0x13: {  	s6 =	sshrl.u32 s6, $0x3;
	s25 =	smax.u32 s1, $0x1;
	[dreg:$0x9] =	wrdreg s10  }
0x14: {  	s1 =	simm.s32 $0x4;
	s23 =	sadd.s32 $0xBC00, s4;
	[dreg:$0x8] =	wrdreg s25  }
0x15: {  	s0 =	sadd.s32 s6, s0;
	s4 =	sadd.s32 $0x1C00, s4;
	[dreg:$0x5] =	wrdreg s23  }
0x16: {  	s25 =	simm.s32 $0xA;
	[dreg:$0x6] =	wrdreg s4;
	s0 =	sadd.s32 $0x15C00, s0  }
0x17: {  	s6 =	simm.s32 $0xD;
	s4 =	simm.s32 $0x0;
	[dreg:$0x7] =	wrdreg s0  }
0x18: {  	s23 =	simm.s32 $0x9;
	s0 =	simm.s32 $0x3;
	[dreg:$0xa] =	wrdreg s4  }
.LBB2_1:
0x19: {  	s4 =	simm.s32 $0x0;
	s12 =	rddreg [dreg:$0x5]  }
0x1a: {  	[tilespmem:s4], [sflag:$0x11] =	stream.linear.gather [hbm4b:s12+s4], $0x2800, $0x38;
	[tilespmem:$0xB780] =	vst v63  }
0x1b: {  	_ =	swait.ge [sflag:s13], $0x2800  }
0x1c: {  	s10 =	simm.s32 $0x0;
	[sflag:s13] =	ssyncset.done $0x0  }
0x1d: {  	s4 =	simm.s32 $0x2800;
	s12 =	rddreg [dreg:$0x6];
	[sflag:s13] =	ssyncadd.s32 $0xFFFFD800  }
0x1e: {  	[tilespmem:s4], [sflag:$0x11] =	stream.linear.gather [hbm4b:s12+s10], $0x2800, $0x38;
	[tilespmem:$0xB780] =	vst v63  }
0x1f: {  	_ =	swait.ge [sflag:s13], $0x2800  }
0x20: {  	s12 =	rddreg [dreg:$0x4]  }
0x21: {  	[sflag:s13] =	ssyncset.done $0x0;
	s10 =	rddreg [dreg:$0x9]  }
0x22: {  	s4 =	rddreg [dreg:$0xb];
	[sflag:s13] =	ssyncadd.s32 $0xFFFFD800  }
0x23: {  	[spmem:s10], [sflag:s4] =	dma.local [hbm:s12], $0x4F0  }
0x24: {  	_ =	swait.ge [sflag:s13], $0x4F0  }
0x25: {  	[sflag:s13] =	ssyncset.done $0x0  }
0x26: {  	[sflag:s13] =	ssyncadd.s32 $0xFFFFFB10  }
0x27: {  	s13 =	simm.s32 $0x0;
	[bflag:$0x0] =	sbarrier.arrive $0xFFFF  }
0x28: {  	[tilespmem:s15], [sflag:$0x1] =	stream.indirect.gather [hbm4b:s2+s14], $0x10, s13, s14, $0xb8;
	[tilespmem:$0xB780] =	vst v63  }
0x29: {  	_ = 	snop  }
0x2a: {  	[tilespmem:s16], [sflag:$0x2] =	stream.indirect.gather [hbm4b:s2+s14], $0x10, s14, s14, $0xb8;
	[tilespmem:$0xB780] =	vst v63  }
0x2b: {  	s10 =	simm.s32 $0x100  }
0x2c: {  	[tilespmem:s18], [sflag:$0x3] =	stream.indirect.gather [hbm4b:s2+s14], $0x10, s10, s14, $0xb8;
	[tilespmem:$0xB780] =	vst v63  }
0x2d: {  	s12 =	simm.s32 $0x180  }
0x2e: {  	[tilespmem:s20], [sflag:$0x4] =	stream.indirect.gather [hbm4b:s2+s14], $0x10, s12, s14, $0xb8;
	[tilespmem:$0xB780] =	vst v63  }
0x2f: {  	s13 =	simm.s32 $0x200  }
0x30: {  	[tilespmem:s22], [sflag:$0x5] =	stream.indirect.gather [hbm4b:s2+s14], $0x10, s13, s14, $0xb8;
	[tilespmem:$0xB780] =	vst v63  }
0x31: {  	s10 =	simm.s32 $0x280  }
0x32: {  	[tilespmem:s24], [sflag:$0x6] =	stream.indirect.gather [hbm4b:s2+s14], $0x10, s10, s14, $0xb8;
	[tilespmem:$0xB780] =	vst v63  }
0x33: {  	s12 =	simm.s32 $0x300  }
0x34: {  	[tilespmem:s26], [sflag:$0x7] =	stream.indirect.gather [hbm4b:s2+s14], $0x10, s12, s14, $0xb8;
	[tilespmem:$0xB780] =	vst v63  }
0x35: {  	s13 =	simm.s32 $0x380  }
0x36: {  	[tilespmem:s29], [sflag:$0x8] =	stream.indirect.gather [hbm4b:s2+s14], $0x10, s13, s14, $0xb8;
	[tilespmem:$0xB780] =	vst v63  }
0x37: {  	_ =	swait.ge [sflag:s30], $0x800  }
0x38: {  	[sflag:s30] =	ssyncset.done $0x0  }
0x39: {  	s4 =	simm.s32 $0x2800;
	[sflag:s30] =	ssyncadd.s32 $0xFFFFF800  }
0x3a: {  	[spmem:s3] =	stream.indirect.scatter.add.f32 [tilespmem:s15], [sflag:$0x9], $0x10, s4, s14, $0xb8;
	[tilespmem:$0xB780] =	vst v63  }
0x3b: {  	_ =	swait.ge [sflag:s31], $0x800  }
0x3c: {  	[sflag:s31] =	ssyncset.done $0x0  }
0x3d: {  	s10 =	simm.s32 $0x2880;
	[sflag:s31] =	ssyncadd.s32 $0xFFFFF800  }
0x3e: {  	[spmem:s3] =	stream.indirect.scatter.add.f32 [tilespmem:s16], [sflag:$0xA], $0x10, s10, s14, $0xb8;
	[tilespmem:$0xB780] =	vst v63  }
0x3f: {  	_ =	swait.ge [sflag:s0], $0x800  }
0x40: {  	[sflag:s0] =	ssyncset.done $0x0  }
0x41: {  	s13 =	simm.s32 $0x2900;
	[sflag:s0] =	ssyncadd.s32 $0xFFFFF800  }
0x42: {  	[spmem:s3] =	stream.indirect.scatter.add.f32 [tilespmem:s18], [sflag:$0xB], $0x10, s13, s14, $0xb8;
	[tilespmem:$0xB780] =	vst v63  }
0x43: {  	_ =	swait.ge [sflag:s1], $0x800  }
0x44: {  	[sflag:s1] =	ssyncset.done $0x0  }
0x45: {  	s4 =	simm.s32 $0x2980;
	[sflag:s1] =	ssyncadd.s32 $0xFFFFF800  }
0x46: {  	[spmem:s3] =	stream.indirect.scatter.add.f32 [tilespmem:s20], [sflag:$0xC], $0x10, s4, s14, $0xb8;
	[tilespmem:$0xB780] =	vst v63  }
0x47: {  	_ =	swait.ge [sflag:s11], $0x800  }
0x48: {  	[sflag:s11] =	ssyncset.done $0x0  }
0x49: {  	s10 =	simm.s32 $0x2A00;
	[sflag:s11] =	ssyncadd.s32 $0xFFFFF800  }
0x4a: {  	[spmem:s3] =	stream.indirect.scatter.add.f32 [tilespmem:s22], [sflag:$0xD], $0x10, s10, s14, $0xb8;
	[tilespmem:$0xB780] =	vst v63  }
0x4b: {  	_ =	swait.ge [sflag:s17], $0x800  }
0x4c: {  	[sflag:s17] =	ssyncset.done $0x0  }
0x4d: {  	s13 =	simm.s32 $0x2A80;
	[sflag:s17] =	ssyncadd.s32 $0xFFFFF800  }
0x4e: {  	[spmem:s3] =	stream.indirect.scatter.add.f32 [tilespmem:s24], [sflag:$0xE], $0x10, s13, s14, $0xb8;
	[tilespmem:$0xB780] =	vst v63  }
0x4f: {  	_ =	swait.ge [sflag:s19], $0x800  }
0x50: {  	[sflag:s19] =	ssyncset.done $0x0  }
0x51: {  	s4 =	simm.s32 $0x2B00;
	[sflag:s19] =	ssyncadd.s32 $0xFFFFF800  }
0x52: {  	[spmem:s3] =	stream.indirect.scatter.add.f32 [tilespmem:s26], [sflag:$0xF], $0x10, s4, s14, $0xb8;
	[tilespmem:$0xB780] =	vst v63  }
0x53: {  	_ =	swait.ge [sflag:s21], $0x800  }
0x54: {  	[sflag:s21] =	ssyncset.done $0x0  }
0x55: {  	s10 =	simm.s32 $0x2B80;
	[sflag:s21] =	ssyncadd.s32 $0xFFFFF800  }
0x56: {  	[spmem:s3] =	stream.indirect.scatter.add.f32 [tilespmem:s29], [sflag:$0x10], $0x10, s10, s14, $0xb8;
	[tilespmem:$0xB780] =	vst v63  }
0x57: {  	_ =	swait.ge [sflag:s23], $0x800  }
0x58: {  	[sflag:s23] =	ssyncset.done $0x0  }
0x59: {  	s13 =	simm.s32 $0x400;
	[sflag:s23] =	ssyncadd.s32 $0xFFFFF800  }
0x5a: {  	[tilespmem:s15], [sflag:$0x1] =	stream.indirect.gather [hbm4b:s2+s14], $0x10, s13, s14, $0xb8;
	[tilespmem:$0xB780] =	vst v63  }
0x5b: {  	_ =	swait.ge [sflag:s25], $0x800  }
0x5c: {  	[sflag:s25] =	ssyncset.done $0x0  }
0x5d: {  	s4 =	simm.s32 $0x480;
	[sflag:s25] =	ssyncadd.s32 $0xFFFFF800  }
0x5e: {  	[tilespmem:s16], [sflag:$0x2] =	stream.indirect.gather [hbm4b:s2+s14], $0x10, s4, s14, $0xb8;
	[tilespmem:$0xB780] =	vst v63  }
0x5f: {  	_ =	swait.ge [sflag:s28], $0x800  }
0x60: {  	[sflag:s28] =	ssyncset.done $0x0  }
0x61: {  	s10 =	simm.s32 $0x500;
	[sflag:s28] =	ssyncadd.s32 $0xFFFFF800  }
0x62: {  	[tilespmem:s18], [sflag:$0x3] =	stream.indirect.gather [hbm4b:s2+s14], $0x10, s10, s14, $0xb8;
	[tilespmem:$0xB780] =	vst v63  }
0x63: {  	_ =	swait.ge [sflag:s5], $0x800  }
0x64: {  	[sflag:s5] =	ssyncset.done $0x0  }
0x65: {  	s13 =	simm.s32 $0x580;
	[sflag:s5] =	ssyncadd.s32 $0xFFFFF800  }
0x66: {  	[tilespmem:s20], [sflag:$0x4] =	stream.indirect.gather [hbm4b:s2+s14], $0x10, s13, s14, $0xb8;
	[tilespmem:$0xB780] =	vst v63  }
0x67: {  	_ =	swait.ge [sflag:s6], $0x800  }
0x68: {  	[sflag:s6] =	ssyncset.done $0x0  }
0x69: {  	s4 =	simm.s32 $0x600;
	[sflag:s6] =	ssyncadd.s32 $0xFFFFF800  }
0x6a: {  	[tilespmem:s22], [sflag:$0x5] =	stream.indirect.gather [hbm4b:s2+s14], $0x10, s4, s14, $0xb8;
	[tilespmem:$0xB780] =	vst v63  }
0x6b: {  	_ =	swait.ge [sflag:s7], $0x800  }
0x6c: {  	[sflag:s7] =	ssyncset.done $0x0  }
0x6d: {  	s10 =	simm.s32 $0x680;
	[sflag:s7] =	ssyncadd.s32 $0xFFFFF800  }
0x6e: {  	[tilespmem:s24], [sflag:$0x6] =	stream.indirect.gather [hbm4b:s2+s14], $0x10, s10, s14, $0xb8;
	[tilespmem:$0xB780] =	vst v63  }
0x6f: {  	_ =	swait.ge [sflag:s8], $0x800  }
0x70: {  	[sflag:s8] =	ssyncset.done $0x0  }
0x71: {  	s13 =	simm.s32 $0x700;
	[sflag:s8] =	ssyncadd.s32 $0xFFFFF800  }
0x72: {  	[tilespmem:s26], [sflag:$0x7] =	stream.indirect.gather [hbm4b:s2+s14], $0x10, s13, s14, $0xb8;
	[tilespmem:$0xB780] =	vst v63  }
0x73: {  	_ =	swait.ge [sflag:s9], $0x800  }
0x74: {  	s12 =	simm.s32 $0x1000;
	[sflag:s9] =	ssyncset.done $0x0  }
0x75: {  	s13 =	simm.s32 $0x780;
	s4 =	rddreg [dreg:$0xb];
	[sflag:s9] =	ssyncadd.s32 $0xFFFFF800  }
.LBB2_2:
0x76: {  	[tilespmem:s29], [sflag:$0x8] =	stream.indirect.gather [hbm4b:s2+s14], $0x10, s13, s14, $0xb8;
	[tilespmem:$0xB780] =	vst v63  }
0x77: {  	s13 =	smov.u32 s12  }
0x78: {  	p0 =	sne.s32 s12, $0x8000;
	s12 =	sadd.s32 $0x1000, s12;
	_ =	swait.ge [sflag:s30], $0x800  }
0x79: {  	s13 =	sshra.s32 s13, $0x2;
	[sflag:s30] =	ssyncset.done $0x0  }
0x7a: {  	s10 =	sadd.s32 $0x2800, s13;
	[sflag:s30] =	ssyncadd.s32 $0xFFFFF800  }
0x7b: {  	[spmem:s3] =	stream.indirect.scatter.add.f32 [tilespmem:s15], [sflag:$0x9], $0x10, s10, s14, $0xb8;
	[tilespmem:$0xB780] =	vst v63  }
0x7c: {  	_ =	swait.ge [sflag:s31], $0x800  }
0x7d: {  	[sflag:s31] =	ssyncset.done $0x0  }
0x7e: {  	s10 =	sadd.s32 $0x2880, s13;
	[sflag:s31] =	ssyncadd.s32 $0xFFFFF800  }
0x7f: {  	[spmem:s3] =	stream.indirect.scatter.add.f32 [tilespmem:s16], [sflag:$0xA], $0x10, s10, s14, $0xb8;
	[tilespmem:$0xB780] =	vst v63  }
0x80: {  	_ =	swait.ge [sflag:s0], $0x800  }
0x81: {  	[sflag:s0] =	ssyncset.done $0x0  }
0x82: {  	s10 =	sadd.s32 $0x2900, s13;
	[sflag:s0] =	ssyncadd.s32 $0xFFFFF800  }
0x83: {  	[spmem:s3] =	stream.indirect.scatter.add.f32 [tilespmem:s18], [sflag:$0xB], $0x10, s10, s14, $0xb8;
	[tilespmem:$0xB780] =	vst v63  }
0x84: {  	_ =	swait.ge [sflag:s1], $0x800  }
0x85: {  	[sflag:s1] =	ssyncset.done $0x0  }
0x86: {  	s10 =	sadd.s32 $0x2980, s13;
	[sflag:s1] =	ssyncadd.s32 $0xFFFFF800  }
0x87: {  	[spmem:s3] =	stream.indirect.scatter.add.f32 [tilespmem:s20], [sflag:$0xC], $0x10, s10, s14, $0xb8;
	[tilespmem:$0xB780] =	vst v63  }
0x88: {  	_ =	swait.ge [sflag:s11], $0x800  }
0x89: {  	[sflag:s11] =	ssyncset.done $0x0  }
0x8a: {  	s10 =	sadd.s32 $0x2A00, s13;
	[sflag:s11] =	ssyncadd.s32 $0xFFFFF800  }
0x8b: {  	[spmem:s3] =	stream.indirect.scatter.add.f32 [tilespmem:s22], [sflag:$0xD], $0x10, s10, s14, $0xb8;
	[tilespmem:$0xB780] =	vst v63  }
0x8c: {  	_ =	swait.ge [sflag:s17], $0x800  }
0x8d: {  	[sflag:s17] =	ssyncset.done $0x0  }
0x8e: {  	s10 =	sadd.s32 $0x2A80, s13;
	[sflag:s17] =	ssyncadd.s32 $0xFFFFF800  }
0x8f: {  	[spmem:s3] =	stream.indirect.scatter.add.f32 [tilespmem:s24], [sflag:$0xE], $0x10, s10, s14, $0xb8;
	[tilespmem:$0xB780] =	vst v63  }
0x90: {  	_ =	swait.ge [sflag:s19], $0x800  }
0x91: {  	[sflag:s19] =	ssyncset.done $0x0  }
0x92: {  	s10 =	sadd.s32 $0x2B00, s13;
	[sflag:s19] =	ssyncadd.s32 $0xFFFFF800  }
0x93: {  	[spmem:s3] =	stream.indirect.scatter.add.f32 [tilespmem:s26], [sflag:$0xF], $0x10, s10, s14, $0xb8;
	[tilespmem:$0xB780] =	vst v63  }
0x94: {  	_ =	swait.ge [sflag:s21], $0x800  }
0x95: {  	[sflag:s21] =	ssyncset.done $0x0  }
0x96: {  	s10 =	sadd.s32 $0x2B80, s13;
	[sflag:s21] =	ssyncadd.s32 $0xFFFFF800  }
0x97: {  	[spmem:s3] =	stream.indirect.scatter.add.f32 [tilespmem:s29], [sflag:$0x10], $0x10, s10, s14, $0xb8;
	[tilespmem:$0xB780] =	vst v63  }
0x98: {  	_ =	swait.ge [sflag:s23], $0x800  }
0x99: {  	[sflag:s23] =	ssyncset.done $0x0  }
0x9a: {  	s10 =	sadd.s32 $0x400, s13;
	[sflag:s23] =	ssyncadd.s32 $0xFFFFF800  }
0x9b: {  	[tilespmem:s15], [sflag:$0x1] =	stream.indirect.gather [hbm4b:s2+s14], $0x10, s10, s14, $0xb8;
	[tilespmem:$0xB780] =	vst v63  }
0x9c: {  	_ =	swait.ge [sflag:s25], $0x800  }
0x9d: {  	[sflag:s25] =	ssyncset.done $0x0  }
0x9e: {  	s10 =	sadd.s32 $0x480, s13;
	[sflag:s25] =	ssyncadd.s32 $0xFFFFF800  }
0x9f: {  	[tilespmem:s16], [sflag:$0x2] =	stream.indirect.gather [hbm4b:s2+s14], $0x10, s10, s14, $0xb8;
	[tilespmem:$0xB780] =	vst v63  }
0xa0: {  	_ =	swait.ge [sflag:s28], $0x800  }
0xa1: {  	[sflag:s28] =	ssyncset.done $0x0  }
0xa2: {  	s10 =	sadd.s32 $0x500, s13;
	[sflag:s28] =	ssyncadd.s32 $0xFFFFF800  }
0xa3: {  	[tilespmem:s18], [sflag:$0x3] =	stream.indirect.gather [hbm4b:s2+s14], $0x10, s10, s14, $0xb8;
	[tilespmem:$0xB780] =	vst v63  }
0xa4: {  	_ =	swait.ge [sflag:s5], $0x800  }
0xa5: {  	[sflag:s5] =	ssyncset.done $0x0  }
0xa6: {  	s10 =	sadd.s32 $0x580, s13;
	[sflag:s5] =	ssyncadd.s32 $0xFFFFF800  }
0xa7: {  	[tilespmem:s20], [sflag:$0x4] =	stream.indirect.gather [hbm4b:s2+s14], $0x10, s10, s14, $0xb8;
	[tilespmem:$0xB780] =	vst v63  }
0xa8: {  	_ =	swait.ge [sflag:s6], $0x800  }
0xa9: {  	[sflag:s6] =	ssyncset.done $0x0  }
0xaa: {  	s10 =	sadd.s32 $0x600, s13;
	[sflag:s6] =	ssyncadd.s32 $0xFFFFF800  }
0xab: {  	[tilespmem:s22], [sflag:$0x5] =	stream.indirect.gather [hbm4b:s2+s14], $0x10, s10, s14, $0xb8;
	[tilespmem:$0xB780] =	vst v63  }
0xac: {  	_ =	swait.ge [sflag:s7], $0x800  }
0xad: {  	[sflag:s7] =	ssyncset.done $0x0  }
0xae: {  	s10 =	sadd.s32 $0x680, s13;
	[sflag:s7] =	ssyncadd.s32 $0xFFFFF800  }
0xaf: {  	[tilespmem:s24], [sflag:$0x6] =	stream.indirect.gather [hbm4b:s2+s14], $0x10, s10, s14, $0xb8;
	[tilespmem:$0xB780] =	vst v63  }
0xb0: {  	_ =	swait.ge [sflag:s8], $0x800  }
0xb1: {  	[sflag:s8] =	ssyncset.done $0x0  }
.Ltmp0:
0xb2: {  	s10 =	sadd.s32 $0x700, s13;
	[sflag:s8] =	ssyncadd.s32 $0xFFFFF800;
	(pc) =	sbr.rel @p0 .LBB2_2-.Ltmp0, $4  }
0xb3: {  	[tilespmem:s26], [sflag:$0x7] =	stream.indirect.gather [hbm4b:s2+s14], $0x10, s10, s14, $0xb8;
	[tilespmem:$0xB780] =	vst v63  }
0xb4: {  	_ =	swait.ge [sflag:s9], $0x800  }
0xb5: {  	[sflag:s9] =	ssyncset.done $0x0  }
0xb6: {  	s13 =	sadd.s32 $0x780, s13;
	[sflag:s9] =	ssyncadd.s32 $0xFFFFF800  }
0xb7: {  	[tilespmem:s29], [sflag:$0x8] =	stream.indirect.gather [hbm4b:s2+s14], $0x10, s13, s14, $0xb8;
	[tilespmem:$0xB780] =	vst v63  }
0xb8: {  	_ =	swait.ge [sflag:s30], $0x800  }
0xb9: {  	[sflag:s30] =	ssyncset.done $0x0  }
0xba: {  	s10 =	simm.s32 $0x4C00;
	[sflag:s30] =	ssyncadd.s32 $0xFFFFF800  }
0xbb: {  	[spmem:s3] =	stream.indirect.scatter.add.f32 [tilespmem:s15], [sflag:$0x9], $0x10, s10, s14, $0xb8;
	[tilespmem:$0xB780] =	vst v63  }
0xbc: {  	_ =	swait.ge [sflag:s31], $0x800  }
0xbd: {  	[sflag:s31] =	ssyncset.done $0x0  }
0xbe: {  	s12 =	simm.s32 $0x4C80;
	[sflag:s31] =	ssyncadd.s32 $0xFFFFF800  }
0xbf: {  	[spmem:s3] =	stream.indirect.scatter.add.f32 [tilespmem:s16], [sflag:$0xA], $0x10, s12, s14, $0xb8;
	[tilespmem:$0xB780] =	vst v63  }
0xc0: {  	_ =	swait.ge [sflag:s0], $0x800  }
0xc1: {  	[sflag:s0] =	ssyncset.done $0x0  }
0xc2: {  	s13 =	simm.s32 $0x4D00;
	[sflag:s0] =	ssyncadd.s32 $0xFFFFF800  }
0xc3: {  	[spmem:s3] =	stream.indirect.scatter.add.f32 [tilespmem:s18], [sflag:$0xB], $0x10, s13, s14, $0xb8;
	[tilespmem:$0xB780] =	vst v63  }
0xc4: {  	_ =	swait.ge [sflag:s1], $0x800  }
0xc5: {  	[sflag:s1] =	ssyncset.done $0x0  }
0xc6: {  	s12 =	simm.s32 $0x4D80;
	[sflag:s1] =	ssyncadd.s32 $0xFFFFF800  }
0xc7: {  	[spmem:s3] =	stream.indirect.scatter.add.f32 [tilespmem:s20], [sflag:$0xC], $0x10, s12, s14, $0xb8;
	[tilespmem:$0xB780] =	vst v63  }
0xc8: {  	_ =	swait.ge [sflag:s11], $0x800  }
0xc9: {  	[sflag:s11] =	ssyncset.done $0x0  }
0xca: {  	s13 =	simm.s32 $0x4E00;
	[sflag:s11] =	ssyncadd.s32 $0xFFFFF800  }
0xcb: {  	[spmem:s3] =	stream.indirect.scatter.add.f32 [tilespmem:s22], [sflag:$0xD], $0x10, s13, s14, $0xb8;
	[tilespmem:$0xB780] =	vst v63  }
0xcc: {  	_ =	swait.ge [sflag:s17], $0x800  }
0xcd: {  	[sflag:s17] =	ssyncset.done $0x0  }
0xce: {  	s12 =	simm.s32 $0x4E80;
	[sflag:s17] =	ssyncadd.s32 $0xFFFFF800  }
0xcf: {  	[spmem:s3] =	stream.indirect.scatter.add.f32 [tilespmem:s24], [sflag:$0xE], $0x10, s12, s14, $0xb8;
	[tilespmem:$0xB780] =	vst v63  }
0xd0: {  	_ =	swait.ge [sflag:s19], $0x800  }
0xd1: {  	[sflag:s19] =	ssyncset.done $0x0  }
0xd2: {  	s13 =	simm.s32 $0x4F00;
	[sflag:s19] =	ssyncadd.s32 $0xFFFFF800  }
0xd3: {  	[spmem:s3] =	stream.indirect.scatter.add.f32 [tilespmem:s26], [sflag:$0xF], $0x10, s13, s14, $0xb8;
	[tilespmem:$0xB780] =	vst v63  }
0xd4: {  	_ =	swait.ge [sflag:s21], $0x800  }
0xd5: {  	[sflag:s21] =	ssyncset.done $0x0  }
0xd6: {  	s12 =	simm.s32 $0x4F80;
	[sflag:s21] =	ssyncadd.s32 $0xFFFFF800  }
0xd7: {  	[spmem:s3] =	stream.indirect.scatter.add.f32 [tilespmem:s29], [sflag:$0x10], $0x10, s12, s14, $0xb8;
	[tilespmem:$0xB780] =	vst v63  }
0xd8: {  	_ =	swait.ge [sflag:s23], $0x800  }
0xd9: {  	[sflag:s23] =	ssyncset.done $0x0  }
0xda: {  	[sflag:s23] =	ssyncadd.s32 $0xFFFFF800  }
0xdb: {  	_ =	swait.ge [sflag:s25], $0x800  }
0xdc: {  	[sflag:s25] =	ssyncset.done $0x0  }
0xdd: {  	[sflag:s25] =	ssyncadd.s32 $0xFFFFF800  }
0xde: {  	_ =	swait.ge [sflag:s28], $0x800  }
0xdf: {  	[sflag:s28] =	ssyncset.done $0x0  }
0xe0: {  	[sflag:s28] =	ssyncadd.s32 $0xFFFFF800  }
0xe1: {  	_ =	swait.ge [sflag:s5], $0x800  }
0xe2: {  	[sflag:s5] =	ssyncset.done $0x0  }
0xe3: {  	[sflag:s5] =	ssyncadd.s32 $0xFFFFF800  }
0xe4: {  	_ =	swait.ge [sflag:s6], $0x800  }
0xe5: {  	[sflag:s6] =	ssyncset.done $0x0  }
0xe6: {  	[sflag:s6] =	ssyncadd.s32 $0xFFFFF800  }
0xe7: {  	_ =	swait.ge [sflag:s7], $0x800  }
0xe8: {  	[sflag:s7] =	ssyncset.done $0x0  }
0xe9: {  	[sflag:s7] =	ssyncadd.s32 $0xFFFFF800  }
0xea: {  	_ =	swait.ge [sflag:s8], $0x800  }
0xeb: {  	[sflag:s8] =	ssyncset.done $0x0  }
0xec: {  	[sflag:s8] =	ssyncadd.s32 $0xFFFFF800  }
0xed: {  	_ =	swait.ge [sflag:s9], $0x800  }
0xee: {  	[sflag:s9] =	ssyncset.done $0x0  }
0xef: {  	[sflag:s9] =	ssyncadd.s32 $0xFFFFF800  }
0xf0: {  	[bflag:$0x0] =	sbarrier.arrive $0xFFFF  }
0xf1: {  	s13 =	rddreg [dreg:$0x7]  }
0xf2: {  	s12 =	rddreg [dreg:$0x9]  }
0xf3: {  	[hbm:s13], [sflag:s4] =	dma.local [spmem:s12], $0x4F0  }
0xf4: {  	s13 =	simm.s32 $0x11  }
0xf5: {  	_ =	swait.ge [sflag:s13], $0x4F0  }
0xf6: {  	s10 =	rddreg [dreg:$0xa]  }
0xf7: {  	s12 =	rddreg [dreg:$0x8];
	s4 =	sadd.s32 $0x1, s10  }
0xf8: {  	p0 =	sne.s32 s4, s12  }
.Ltmp1:
0xf9: {  	_ = 	snop;
	(pc) =	sbr.rel @p0 .LBB2_1-.Ltmp1, $3  }
0xfa: {  	_ =	sdelay $0x1  }
0xfb: {  	[sflag:s13] =	ssyncset.done $0x0  }
0xfc: {  	[sflag:s13] =	ssyncadd.s32 $0xFFFFFB10;
	[dreg:$0xa] =	wrdreg s4  }
0xfd: {  	_ =	sfence.sel $0x180000  }
0xfe: {  	[bflag:$0x0] =	sbarrier.arrive $0xFFFF  }
0xff: {  	_ =	strace $0x9000004A  }
0x100: {  	s0 =	stileid.u32;
	[bflag:$0x2] =	sbarrier.arrive $0xFFFF  }
0x101: {  	p0 =	sne.s32 s0, $0x0;
	s0 =	rddreg [dreg:$0x3]  }
0x102: {  	s0 =	sadd.s32 @!p0 $0x100000, s0  }
0x103: {  	[sflag:s0] =	ssyncadd.tile.s32 @!p0 $0x1;
	_ =	shalt  }
.Lfunc_end2:
_tile_overlayer_lowered:
.L_overlay_start_2:
0x104: {  	(tag) =	ssettag $0x2  }
0x105: {  	s0 =	rddreg [dreg:$0x0];
	s2 =	stileid.u32  }
0x106: {  	s1 =	rddreg [dreg:$0x1];
	p0 =	sne.s32 s2, $0x0  }
0x107: {  	s3 =	rddreg [dreg:$0x2];
	[bflag:$0x3] =	sbarrier.arrive $0xFFFF;
	s2 =	simm.s32 @!p0 $0x1C11  }
0x108: {  	[timem:s3], [sflag:s2] =	dma.local @!p0 [hbm:s0], s1  }
0x109: {  	s0 =	simm.s32 @!p0 $0x11  }
0x10a: {  	_ =	swait.ge @!p0 [sflag:s0], s1  }
0x10b: {  	s1 =	ssub.s32 @!p0 $0x0, s1;
	[sflag:s0] =	ssyncset.done @!p0 $0x0  }
0x10c: {  	[sflag:s0] =	ssyncadd.s32 @!p0 s1  }
0x10d: {  	[bflag:$0x3] =	sbarrier.arrive $0xFFFF  }
0x10e: {  	_ =	shalt  }

</sc_bundles>
